<compile_context>
chip_gen: v7x
topology: tpu7x:2x2x1
jax: 0.10.2.dev20260603
libtpu: 0.0.44.dev20260713+nightly
codegen_flags: <defaults>
</compile_context>

<pallas_src>
import jax
import jax.numpy as jnp
from jax import lax
from jax.experimental import pallas as pl
from jax.experimental.pallas import tpu as pltpu
from jax.experimental.pallas import tpu_sc as plsc

B = 16384
D = 128
NC = 2
NS = 16
NW = NC * NS
BPW = B // NW
CHUNK = 64
NCHUNK = BPW // CHUNK
NGRP = CHUNK // 16
NBUF = 4


def _mf_body(users_hbm, items_hbm, ut_hbm, it_hbm, wb_hbm, out_hbm,
             uidx, iidx, u0, u1, u2, u3, i0, i1, i2, i3, wb_v, out_v,
             usem, isem, osem):
    wid = lax.axis_index("s") * NC + lax.axis_index("c")
    base = wid * BPW

    h_u = pltpu.async_copy(users_hbm.at[pl.ds(base, BPW)], uidx, usem)
    h_i = pltpu.async_copy(items_hbm.at[pl.ds(base, BPW)], iidx, isem)
    h_w = pltpu.async_copy(wb_hbm, wb_v, usem)
    h_u.wait()
    h_i.wait()
    h_w.wait()

    ubufs = (u0, u1, u2, u3)
    ibufs = (i0, i1, i2, i3)

    def start(c):
        ub = ubufs[c % NBUF]
        ib = ibufs[c % NBUF]
        hu = pltpu.async_copy(ut_hbm.at[uidx.at[pl.ds(c * CHUNK, CHUNK)]], ub, usem)
        hi = pltpu.async_copy(it_hbm.at[iidx.at[pl.ds(c * CHUNK, CHUNK)]], ib, isem)
        return hu, hi

    pending = [start(0), start(1), start(2), start(3)]
    out_pending = []

    riota = lax.iota(jnp.int32, 16)
    ridx = [riota + (g * 16) for g in range(NGRP)]
    bvec = wb_v[pl.ds(D, 16)]

    for c in range(NCHUNK):
        hu, hi = pending[c]
        hu.wait()
        hi.wait()

        ub = ubufs[c % NBUF]
        ib = ibufs[c % NBUF]

        def dbody(d, accs, ub=ub, ib=ib):
            col = (riota + d) & (D - 1)
            w_d = plsc.load_gather(wb_v, [col])
            out = []
            for g in range(NGRP):
                ug = plsc.load_gather(ub, [ridx[g], col])
                ig = plsc.load_gather(ib, [ridx[g], col])
                pb = plsc.bitcast(ug * ig, jnp.int32)
                pb = (pb + 0x8000) & jnp.int32(-65536)
                p = plsc.bitcast(pb, jnp.float32)
                out.append(accs[g] + p * w_d)
            return tuple(out)

        accs = lax.fori_loop(
            0, D, dbody,
            tuple(jnp.zeros((16,), jnp.float32) for _ in range(NGRP)))

        for g in range(NGRP):
            out_v[pl.ds(c * CHUNK + g * 16, 16)] = accs[g] + bvec
        out_pending.append(pltpu.async_copy(
            out_v.at[pl.ds(c * CHUNK, CHUNK)],
            out_hbm.at[pl.ds(base + c * CHUNK, CHUNK)], osem))

        if c + NBUF < NCHUNK:
            pending.append(start(c + NBUF))

    for h in out_pending:
        h.wait()


@jax.jit
def kernel(users, items, user_table, item_table, W, b):
    users_r = users.astype(jnp.int32)
    items_r = items.astype(jnp.int32)
    wi = lax.bitcast_convert_type(W.astype(jnp.float32), jnp.int32)
    wi = (wi + 0x7FFF + (lax.shift_right_logical(wi, 16) & 1)) & jnp.int32(-65536)
    w_rounded = lax.bitcast_convert_type(wi, jnp.float32)[:, 0]
    wb = jnp.concatenate([w_rounded, jnp.broadcast_to(b, (16,))]).astype(jnp.float32)

    mesh = plsc.VectorSubcoreMesh(core_axis_name="c", subcore_axis_name="s")
    out = pl.kernel(
        _mf_body,
        mesh=mesh,
        compiler_params=pltpu.CompilerParams(needs_layout_passes=False),
        out_type=jax.ShapeDtypeStruct((B,), jnp.float32),
        scratch_types=[
            pltpu.VMEM((BPW,), jnp.int32),
            pltpu.VMEM((BPW,), jnp.int32),
            pltpu.VMEM((CHUNK, D), jnp.float32),
            pltpu.VMEM((CHUNK, D), jnp.float32),
            pltpu.VMEM((CHUNK, D), jnp.float32),
            pltpu.VMEM((CHUNK, D), jnp.float32),
            pltpu.VMEM((CHUNK, D), jnp.float32),
            pltpu.VMEM((CHUNK, D), jnp.float32),
            pltpu.VMEM((CHUNK, D), jnp.float32),
            pltpu.VMEM((CHUNK, D), jnp.float32),
            pltpu.VMEM((D + 16,), jnp.float32),
            pltpu.VMEM((BPW,), jnp.float32),
            pltpu.SemaphoreType.DMA,
            pltpu.SemaphoreType.DMA,
            pltpu.SemaphoreType.DMA,
        ],
    )(users_r, items_r, user_table, item_table, wb)
    return out.reshape(B, 1)

# --- scband reference (transcript-rebuilt; emitter-appended) ---
"""Pipeline reference for scband-mfmodel-12627203850643 (READ-ONLY COPY).

The authoritative reference and input builder live on the scoring server;
editing this copy changes nothing except your own understanding.
"""

import jax, jax.numpy as jnp
import numpy as np

NUM_USERS = 100000
NUM_ITEMS = 1000000
EMBED_DIM = 128
BATCH = 16384

def setup_inputs(seed: int = 0) -> dict:
    key = jax.random.key(seed)
    k_u, k_i, k_ut, k_it, k_w, k_b = jax.random.split(key, 6)
    users = jax.random.randint(k_u, (BATCH,), 0, NUM_USERS, dtype=jnp.int64 if jax.config.jax_enable_x64 else jnp.int32)
    items = jax.random.randint(k_i, (BATCH,), 0, NUM_ITEMS, dtype=jnp.int64 if jax.config.jax_enable_x64 else jnp.int32)
    # torch init: uniform_(0.5, 1.0) for both embedding tables
    user_table = jax.random.uniform(k_ut, (NUM_USERS, EMBED_DIM), dtype=jnp.float32, minval=0.5, maxval=1.0)
    item_table = jax.random.uniform(k_it, (NUM_ITEMS, EMBED_DIM), dtype=jnp.float32, minval=0.5, maxval=1.0)
    # nn.Linear(128, 1): kaiming-uniform-ish default; use U(-1/sqrt(d), 1/sqrt(d))
    bound = 1.0 / np.sqrt(EMBED_DIM)
    W = jax.random.uniform(k_w, (EMBED_DIM, 1), dtype=jnp.float32, minval=-bound, maxval=bound)
    b = jax.random.uniform(k_b, (1,), dtype=jnp.float32, minval=-bound, maxval=bound)
    return {"users": users, "items": items, "user_table": user_table, "item_table": item_table, "W": W, "b": b}

def reference(users, items, user_table, item_table, W, b):
    user_emb = jnp.take(user_table, users, axis=0)      # [B, D] gather
    item_emb = jnp.take(item_table, items, axis=0)      # [B, D] gather
    interact = user_emb * item_emb                      # [B, D]
    out = interact @ W + b                              # [B, 1] affine transform
    return out

if __name__ == "__main__":
    import jax
    _d = setup_inputs()
    print(jax.jit(kernel)(*tuple(_d.values())))

</pallas_src>

<mosaic_0001>
#map = affine_map<(d0, d1) -> (0)>
#map1 = affine_map<(d0, d1) -> (0, 0)>
module attributes {stable_mosaic.version = 14 : i64} {
  func.func @_mf_body(%arg0: i32, %arg1: i32, %arg2: memref<16384xi32, #tpu.memory_space<hbm>>, %arg3: memref<16384xi32, #tpu.memory_space<hbm>>, %arg4: memref<100000x128xf32, #tpu.memory_space<hbm>>, %arg5: memref<1000000x128xf32, #tpu.memory_space<hbm>>, %arg6: memref<144xf32, #tpu.memory_space<hbm>>, %arg7: memref<16384xf32, #tpu.memory_space<hbm>>, %arg8: memref<512xi32, #tpu.memory_space<vmem>>, %arg9: memref<512xi32, #tpu.memory_space<vmem>>, %arg10: memref<64x128xf32, #tpu.memory_space<vmem>>, %arg11: memref<64x128xf32, #tpu.memory_space<vmem>>, %arg12: memref<64x128xf32, #tpu.memory_space<vmem>>, %arg13: memref<64x128xf32, #tpu.memory_space<vmem>>, %arg14: memref<64x128xf32, #tpu.memory_space<vmem>>, %arg15: memref<64x128xf32, #tpu.memory_space<vmem>>, %arg16: memref<64x128xf32, #tpu.memory_space<vmem>>, %arg17: memref<64x128xf32, #tpu.memory_space<vmem>>, %arg18: memref<144xf32, #tpu.memory_space<vmem>>, %arg19: memref<512xf32, #tpu.memory_space<vmem>>, %arg20: memref<!tpu.dma_semaphore, #tpu.memory_space<semaphore_mem>>, %arg21: memref<!tpu.dma_semaphore, #tpu.memory_space<semaphore_mem>>, %arg22: memref<!tpu.dma_semaphore, #tpu.memory_space<semaphore_mem>>) attributes {dimension_semantics = [#tpu.dimension_semantics<core_parallel>, #tpu.dimension_semantics<subcore_parallel>], iteration_bounds = array<i64: 2, 16>, scalar_prefetch = 0 : i64, scratch_operands = 15 : i64, tpu.core_type = #tpu.core_type<sc_vector_subcore>, window_params = [{transform_indices = #map}, {transform_indices = #map}, {transform_indices = #map1}, {transform_indices = #map1}, {transform_indices = #map}, {transform_indices = #map}]} {
    %mul3A = arith.constant 2 : i32
    %mul3A_0 = arith.muli %arg1, %mul3A : i32
    %add3A = arith.addi %mul3A_0, %arg0 : i32
    %mul3A_1 = arith.constant 512 : i32
    %mul3A_2 = arith.muli %add3A, %mul3A_1 : i32
    %dma_start3A = tpu.memref_slice %arg2[%mul3A_2] : memref<16384xi32, #tpu.memory_space<hbm>> -> memref<512xi32, #tpu.memory_space<hbm>>
    %dma_start3A_3 = tpu.memref_slice %arg2[%mul3A_2] : memref<16384xi32, #tpu.memory_space<hbm>> -> memref<512xi32, #tpu.memory_space<hbm>>
    tpu.enqueue_dma source(%dma_start3A_3 : memref<512xi32, #tpu.memory_space<hbm>>) target(%arg8 : memref<512xi32, #tpu.memory_space<vmem>>) target_semaphore(%arg20 : memref<!tpu.dma_semaphore, #tpu.memory_space<semaphore_mem>>)
    %dma_start3A_4 = tpu.memref_slice %arg3[%mul3A_2] : memref<16384xi32, #tpu.memory_space<hbm>> -> memref<512xi32, #tpu.memory_space<hbm>>
    %dma_start3A_5 = tpu.memref_slice %arg3[%mul3A_2] : memref<16384xi32, #tpu.memory_space<hbm>> -> memref<512xi32, #tpu.memory_space<hbm>>
    tpu.enqueue_dma source(%dma_start3A_5 : memref<512xi32, #tpu.memory_space<hbm>>) target(%arg9 : memref<512xi32, #tpu.memory_space<vmem>>) target_semaphore(%arg21 : memref<!tpu.dma_semaphore, #tpu.memory_space<semaphore_mem>>)
    tpu.enqueue_dma source(%arg6 : memref<144xf32, #tpu.memory_space<hbm>>) target(%arg18 : memref<144xf32, #tpu.memory_space<vmem>>) target_semaphore(%arg20 : memref<!tpu.dma_semaphore, #tpu.memory_space<semaphore_mem>>)
    %dma_wait3A = tpu.memref_slice %arg2[%mul3A_2] : memref<16384xi32, #tpu.memory_space<hbm>> -> memref<512xi32, #tpu.memory_space<hbm>>
    %dma_wait3A_6 = tpu.memref_slice %arg2[%mul3A_2] : memref<16384xi32, #tpu.memory_space<hbm>> -> memref<512xi32, #tpu.memory_space<hbm>>
    tpu.wait_dma2 semaphore(%arg20 : memref<!tpu.dma_semaphore, #tpu.memory_space<semaphore_mem>>) src(%dma_wait3A_6 : memref<512xi32, #tpu.memory_space<hbm>>) dst(%arg8 : memref<512xi32, #tpu.memory_space<vmem>>)
    %dma_wait3A_7 = tpu.memref_slice %arg3[%mul3A_2] : memref<16384xi32, #tpu.memory_space<hbm>> -> memref<512xi32, #tpu.memory_space<hbm>>
    %dma_wait3A_8 = tpu.memref_slice %arg3[%mul3A_2] : memref<16384xi32, #tpu.memory_space<hbm>> -> memref<512xi32, #tpu.memory_space<hbm>>
    tpu.wait_dma2 semaphore(%arg21 : memref<!tpu.dma_semaphore, #tpu.memory_space<semaphore_mem>>) src(%dma_wait3A_8 : memref<512xi32, #tpu.memory_space<hbm>>) dst(%arg9 : memref<512xi32, #tpu.memory_space<vmem>>)
    tpu.wait_dma2 semaphore(%arg20 : memref<!tpu.dma_semaphore, #tpu.memory_space<semaphore_mem>>) src(%arg6 : memref<144xf32, #tpu.memory_space<hbm>>) dst(%arg18 : memref<144xf32, #tpu.memory_space<vmem>>)
    %dma_start3A_9 = arith.constant 0 : i32
    %dma_start3A_10 = tpu.memref_slice %arg8[%dma_start3A_9] : memref<512xi32, #tpu.memory_space<vmem>> -> memref<64xi32, #tpu.memory_space<vmem>>
    %dma_start3A_11 = arith.constant 0 : i32
    %dma_start3A_12 = arith.constant 0 : i32
    %dma_start3A_13 = tpu.memref_slice %arg4[%dma_start3A_11, %dma_start3A_12] : memref<100000x128xf32, #tpu.memory_space<hbm>> -> memref<100000x128xf32, #tpu.memory_space<hbm>>
    tpu.enqueue_indirect_dma source(%dma_start3A_13 : memref<100000x128xf32, #tpu.memory_space<hbm>>) target(%arg10 : memref<64x128xf32, #tpu.memory_space<vmem>>) offsets(%dma_start3A_10 : memref<64xi32, #tpu.memory_space<vmem>>) semaphore(%arg20 : memref<!tpu.dma_semaphore, #tpu.memory_space<semaphore_mem>>)
    %dma_start3A_14 = arith.constant 0 : i32
    %dma_start3A_15 = tpu.memref_slice %arg9[%dma_start3A_14] : memref<512xi32, #tpu.memory_space<vmem>> -> memref<64xi32, #tpu.memory_space<vmem>>
    %dma_start3A_16 = arith.constant 0 : i32
    %dma_start3A_17 = arith.constant 0 : i32
    %dma_start3A_18 = tpu.memref_slice %arg5[%dma_start3A_16, %dma_start3A_17] : memref<1000000x128xf32, #tpu.memory_space<hbm>> -> memref<1000000x128xf32, #tpu.memory_space<hbm>>
    tpu.enqueue_indirect_dma source(%dma_start3A_18 : memref<1000000x128xf32, #tpu.memory_space<hbm>>) target(%arg14 : memref<64x128xf32, #tpu.memory_space<vmem>>) offsets(%dma_start3A_15 : memref<64xi32, #tpu.memory_space<vmem>>) semaphore(%arg21 : memref<!tpu.dma_semaphore, #tpu.memory_space<semaphore_mem>>)
    %dma_start3A_19 = arith.constant 64 : i32
    %dma_start3A_20 = tpu.memref_slice %arg8[%dma_start3A_19] : memref<512xi32, #tpu.memory_space<vmem>> -> memref<64xi32, #tpu.memory_space<vmem>>
    %dma_start3A_21 = arith.constant 0 : i32
    %dma_start3A_22 = arith.constant 0 : i32
    %dma_start3A_23 = tpu.memref_slice %arg4[%dma_start3A_21, %dma_start3A_22] : memref<100000x128xf32, #tpu.memory_space<hbm>> -> memref<100000x128xf32, #tpu.memory_space<hbm>>
    tpu.enqueue_indirect_dma source(%dma_start3A_23 : memref<100000x128xf32, #tpu.memory_space<hbm>>) target(%arg11 : memref<64x128xf32, #tpu.memory_space<vmem>>) offsets(%dma_start3A_20 : memref<64xi32, #tpu.memory_space<vmem>>) semaphore(%arg20 : memref<!tpu.dma_semaphore, #tpu.memory_space<semaphore_mem>>)
    %dma_start3A_24 = arith.constant 64 : i32
    %dma_start3A_25 = tpu.memref_slice %arg9[%dma_start3A_24] : memref<512xi32, #tpu.memory_space<vmem>> -> memref<64xi32, #tpu.memory_space<vmem>>
    %dma_start3A_26 = arith.constant 0 : i32
    %dma_start3A_27 = arith.constant 0 : i32
    %dma_start3A_28 = tpu.memref_slice %arg5[%dma_start3A_26, %dma_start3A_27] : memref<1000000x128xf32, #tpu.memory_space<hbm>> -> memref<1000000x128xf32, #tpu.memory_space<hbm>>
    tpu.enqueue_indirect_dma source(%dma_start3A_28 : memref<1000000x128xf32, #tpu.memory_space<hbm>>) target(%arg15 : memref<64x128xf32, #tpu.memory_space<vmem>>) offsets(%dma_start3A_25 : memref<64xi32, #tpu.memory_space<vmem>>) semaphore(%arg21 : memref<!tpu.dma_semaphore, #tpu.memory_space<semaphore_mem>>)
    %dma_start3A_29 = arith.constant 128 : i32
    %dma_start3A_30 = tpu.memref_slice %arg8[%dma_start3A_29] : memref<512xi32, #tpu.memory_space<vmem>> -> memref<64xi32, #tpu.memory_space<vmem>>
    %dma_start3A_31 = arith.constant 0 : i32
    %dma_start3A_32 = arith.constant 0 : i32
    %dma_start3A_33 = tpu.memref_slice %arg4[%dma_start3A_31, %dma_start3A_32] : memref<100000x128xf32, #tpu.memory_space<hbm>> -> memref<100000x128xf32, #tpu.memory_space<hbm>>
    tpu.enqueue_indirect_dma source(%dma_start3A_33 : memref<100000x128xf32, #tpu.memory_space<hbm>>) target(%arg12 : memref<64x128xf32, #tpu.memory_space<vmem>>) offsets(%dma_start3A_30 : memref<64xi32, #tpu.memory_space<vmem>>) semaphore(%arg20 : memref<!tpu.dma_semaphore, #tpu.memory_space<semaphore_mem>>)
    %dma_start3A_34 = arith.constant 128 : i32
    %dma_start3A_35 = tpu.memref_slice %arg9[%dma_start3A_34] : memref<512xi32, #tpu.memory_space<vmem>> -> memref<64xi32, #tpu.memory_space<vmem>>
    %dma_start3A_36 = arith.constant 0 : i32
    %dma_start3A_37 = arith.constant 0 : i32
    %dma_start3A_38 = tpu.memref_slice %arg5[%dma_start3A_36, %dma_start3A_37] : memref<1000000x128xf32, #tpu.memory_space<hbm>> -> memref<1000000x128xf32, #tpu.memory_space<hbm>>
    tpu.enqueue_indirect_dma source(%dma_start3A_38 : memref<1000000x128xf32, #tpu.memory_space<hbm>>) target(%arg16 : memref<64x128xf32, #tpu.memory_space<vmem>>) offsets(%dma_start3A_35 : memref<64xi32, #tpu.memory_space<vmem>>) semaphore(%arg21 : memref<!tpu.dma_semaphore, #tpu.memory_space<semaphore_mem>>)
    %dma_start3A_39 = arith.constant 192 : i32
    %dma_start3A_40 = tpu.memref_slice %arg8[%dma_start3A_39] : memref<512xi32, #tpu.memory_space<vmem>> -> memref<64xi32, #tpu.memory_space<vmem>>
    %dma_start3A_41 = arith.constant 0 : i32
    %dma_start3A_42 = arith.constant 0 : i32
    %dma_start3A_43 = tpu.memref_slice %arg4[%dma_start3A_41, %dma_start3A_42] : memref<100000x128xf32, #tpu.memory_space<hbm>> -> memref<100000x128xf32, #tpu.memory_space<hbm>>
    tpu.enqueue_indirect_dma source(%dma_start3A_43 : memref<100000x128xf32, #tpu.memory_space<hbm>>) target(%arg13 : memref<64x128xf32, #tpu.memory_space<vmem>>) offsets(%dma_start3A_40 : memref<64xi32, #tpu.memory_space<vmem>>) semaphore(%arg20 : memref<!tpu.dma_semaphore, #tpu.memory_space<semaphore_mem>>)
    %dma_start3A_44 = arith.constant 192 : i32
    %dma_start3A_45 = tpu.memref_slice %arg9[%dma_start3A_44] : memref<512xi32, #tpu.memory_space<vmem>> -> memref<64xi32, #tpu.memory_space<vmem>>
    %dma_start3A_46 = arith.constant 0 : i32
    %dma_start3A_47 = arith.constant 0 : i32
    %dma_start3A_48 = tpu.memref_slice %arg5[%dma_start3A_46, %dma_start3A_47] : memref<1000000x128xf32, #tpu.memory_space<hbm>> -> memref<1000000x128xf32, #tpu.memory_space<hbm>>
    tpu.enqueue_indirect_dma source(%dma_start3A_48 : memref<1000000x128xf32, #tpu.memory_space<hbm>>) target(%arg17 : memref<64x128xf32, #tpu.memory_space<vmem>>) offsets(%dma_start3A_45 : memref<64xi32, #tpu.memory_space<vmem>>) semaphore(%arg21 : memref<!tpu.dma_semaphore, #tpu.memory_space<semaphore_mem>>)
    %iota3A = tpu.iota {dimensions = array<i32: 0>} : vector<16xi32>
    %add3A_49 = arith.constant 0 : i32
    %add3A_50 = vector.broadcast %add3A_49 : i32 to vector<16xi32>
    %add3A_51 = arith.addi %iota3A, %add3A_50 : vector<16xi32>
    %add3A_52 = arith.constant 16 : i32
    %add3A_53 = vector.broadcast %add3A_52 : i32 to vector<16xi32>
    %add3A_54 = arith.addi %iota3A, %add3A_53 : vector<16xi32>
    %add3A_55 = arith.constant 32 : i32
    %add3A_56 = vector.broadcast %add3A_55 : i32 to vector<16xi32>
    %add3A_57 = arith.addi %iota3A, %add3A_56 : vector<16xi32>
    %add3A_58 = arith.constant 48 : i32
    %add3A_59 = vector.broadcast %add3A_58 : i32 to vector<16xi32>
    %add3A_60 = arith.addi %iota3A, %add3A_59 : vector<16xi32>
    %get3A = arith.constant 128 : index
    %get3A_61 = tpu.vector_load %arg18[%get3A] {strides = array<i32>} : memref<144xf32, #tpu.memory_space<vmem>>, vector<16xf32>,
    %dma_wait3A_62 = arith.constant 0 : i32
    %dma_wait3A_63 = tpu.memref_slice %arg8[%dma_wait3A_62] : memref<512xi32, #tpu.memory_space<vmem>> -> memref<64xi32, #tpu.memory_space<vmem>>
    %dma_wait3A_64 = arith.constant 0 : i32
    %dma_wait3A_65 = arith.constant 0 : i32
    %dma_wait3A_66 = tpu.memref_slice %arg4[%dma_wait3A_64, %dma_wait3A_65] : memref<100000x128xf32, #tpu.memory_space<hbm>> -> memref<100000x128xf32, #tpu.memory_space<hbm>>
    tpu.wait_indirect_dma semaphore(%arg20 : memref<!tpu.dma_semaphore, #tpu.memory_space<semaphore_mem>>) src(%dma_wait3A_66 : memref<100000x128xf32, #tpu.memory_space<hbm>>) dst(%arg10 : memref<64x128xf32, #tpu.memory_space<vmem>>)
    %dma_wait3A_67 = arith.constant 0 : i32
    %dma_wait3A_68 = tpu.memref_slice %arg9[%dma_wait3A_67] : memref<512xi32, #tpu.memory_space<vmem>> -> memref<64xi32, #tpu.memory_space<vmem>>
    %dma_wait3A_69 = arith.constant 0 : i32
    %dma_wait3A_70 = arith.constant 0 : i32
    %dma_wait3A_71 = tpu.memref_slice %arg5[%dma_wait3A_69, %dma_wait3A_70] : memref<1000000x128xf32, #tpu.memory_space<hbm>> -> memref<1000000x128xf32, #tpu.memory_space<hbm>>
    tpu.wait_indirect_dma semaphore(%arg21 : memref<!tpu.dma_semaphore, #tpu.memory_space<semaphore_mem>>) src(%dma_wait3A_71 : memref<1000000x128xf32, #tpu.memory_space<hbm>>) dst(%arg14 : memref<64x128xf32, #tpu.memory_space<vmem>>)
    %broadcast_in_dim3A = arith.constant 0.000000e+00 : f32
    %broadcast_in_dim3A_72 = vector.broadcast %broadcast_in_dim3A : f32 to vector<16xf32>
    %broadcast_in_dim3A_73 = arith.constant 0.000000e+00 : f32
    %broadcast_in_dim3A_74 = vector.broadcast %broadcast_in_dim3A_73 : f32 to vector<16xf32>
    %broadcast_in_dim3A_75 = arith.constant 0.000000e+00 : f32
    %broadcast_in_dim3A_76 = vector.broadcast %broadcast_in_dim3A_75 : f32 to vector<16xf32>
    %broadcast_in_dim3A_77 = arith.constant 0.000000e+00 : f32
    %broadcast_in_dim3A_78 = vector.broadcast %broadcast_in_dim3A_77 : f32 to vector<16xf32>
    %scan3A = arith.constant 0 : i32
    %scan3A_79 = arith.constant 128 : i32
    %scan3A_80 = arith.addi %scan3A, %scan3A_79 : i32
    %scan3A_81 = arith.constant 1 : i32
    %scan3A_82:4 = scf.for %scan3A_499 = %scan3A to %scan3A_80 step %scan3A_81 iter_args(%scan3A_500 = %broadcast_in_dim3A_72, %scan3A_501 = %broadcast_in_dim3A_74, %scan3A_502 = %broadcast_in_dim3A_76, %scan3A_503 = %broadcast_in_dim3A_78) -> (vector<16xf32>, vector<16xf32>, vector<16xf32>, vector<16xf32>)  : i32 {
      %add3A_504 = vector.broadcast %scan3A_499 : i32 to vector<16xi32>
      %add3A_505 = arith.addi %iota3A, %add3A_504 : vector<16xi32>
      %and3A = arith.constant 127 : i32
      %and3A_506 = vector.broadcast %and3A : i32 to vector<16xi32>
      %and3A_507 = arith.andi %add3A_505, %and3A_506 : vector<16xi32>
      %gather3A = tpu.vector_load_idx %arg18[%and3A_507] : memref<144xf32, #tpu.memory_space<vmem>>[vector<16xi32>], vector<16xf32>,
      %gather3A_508 = tpu.vector_load_idx %arg10[%add3A_51, %and3A_507] : memref<64x128xf32, #tpu.memory_space<vmem>>[vector<16xi32>, vector<16xi32>], vector<16xf32>,
      %gather3A_509 = tpu.vector_load_idx %arg14[%add3A_51, %and3A_507] : memref<64x128xf32, #tpu.memory_space<vmem>>[vector<16xi32>, vector<16xi32>], vector<16xf32>,
      %mul3A_510 = arith.mulf %gather3A_508, %gather3A_509 : vector<16xf32>
      %bitcast3A = vector.bitcast %mul3A_510 : vector<16xf32> to vector<16xi32>
      %add3A_511 = arith.constant 32768 : i32
      %add3A_512 = vector.broadcast %add3A_511 : i32 to vector<16xi32>
      %add3A_513 = arith.addi %bitcast3A, %add3A_512 : vector<16xi32>
      %and3A_514 = arith.constant -65536 : i32
      %and3A_515 = vector.broadcast %and3A_514 : i32 to vector<16xi32>
      %and3A_516 = arith.andi %add3A_513, %and3A_515 : vector<16xi32>
      %bitcast3A_517 = vector.bitcast %and3A_516 : vector<16xi32> to vector<16xf32>
      %mul3A_518 = arith.mulf %bitcast3A_517, %gather3A : vector<16xf32>
      %add3A_519 = arith.addf %scan3A_500, %mul3A_518 : vector<16xf32>
      %gather3A_520 = tpu.vector_load_idx %arg10[%add3A_54, %and3A_507] : memref<64x128xf32, #tpu.memory_space<vmem>>[vector<16xi32>, vector<16xi32>], vector<16xf32>,
      %gather3A_521 = tpu.vector_load_idx %arg14[%add3A_54, %and3A_507] : memref<64x128xf32, #tpu.memory_space<vmem>>[vector<16xi32>, vector<16xi32>], vector<16xf32>,
      %mul3A_522 = arith.mulf %gather3A_520, %gather3A_521 : vector<16xf32>
      %bitcast3A_523 = vector.bitcast %mul3A_522 : vector<16xf32> to vector<16xi32>
      %add3A_524 = arith.constant 32768 : i32
      %add3A_525 = vector.broadcast %add3A_524 : i32 to vector<16xi32>
      %add3A_526 = arith.addi %bitcast3A_523, %add3A_525 : vector<16xi32>
      %and3A_527 = arith.constant -65536 : i32
      %and3A_528 = vector.broadcast %and3A_527 : i32 to vector<16xi32>
      %and3A_529 = arith.andi %add3A_526, %and3A_528 : vector<16xi32>
      %bitcast3A_530 = vector.bitcast %and3A_529 : vector<16xi32> to vector<16xf32>
      %mul3A_531 = arith.mulf %bitcast3A_530, %gather3A : vector<16xf32>
      %add3A_532 = arith.addf %scan3A_501, %mul3A_531 : vector<16xf32>
      %gather3A_533 = tpu.vector_load_idx %arg10[%add3A_57, %and3A_507] : memref<64x128xf32, #tpu.memory_space<vmem>>[vector<16xi32>, vector<16xi32>], vector<16xf32>,
      %gather3A_534 = tpu.vector_load_idx %arg14[%add3A_57, %and3A_507] : memref<64x128xf32, #tpu.memory_space<vmem>>[vector<16xi32>, vector<16xi32>], vector<16xf32>,
      %mul3A_535 = arith.mulf %gather3A_533, %gather3A_534 : vector<16xf32>
      %bitcast3A_536 = vector.bitcast %mul3A_535 : vector<16xf32> to vector<16xi32>
      %add3A_537 = arith.constant 32768 : i32
      %add3A_538 = vector.broadcast %add3A_537 : i32 to vector<16xi32>
      %add3A_539 = arith.addi %bitcast3A_536, %add3A_538 : vector<16xi32>
      %and3A_540 = arith.constant -65536 : i32
      %and3A_541 = vector.broadcast %and3A_540 : i32 to vector<16xi32>
      %and3A_542 = arith.andi %add3A_539, %and3A_541 : vector<16xi32>
      %bitcast3A_543 = vector.bitcast %and3A_542 : vector<16xi32> to vector<16xf32>
      %mul3A_544 = arith.mulf %bitcast3A_543, %gather3A : vector<16xf32>
      %add3A_545 = arith.addf %scan3A_502, %mul3A_544 : vector<16xf32>
      %gather3A_546 = tpu.vector_load_idx %arg10[%add3A_60, %and3A_507] : memref<64x128xf32, #tpu.memory_space<vmem>>[vector<16xi32>, vector<16xi32>], vector<16xf32>,
      %gather3A_547 = tpu.vector_load_idx %arg14[%add3A_60, %and3A_507] : memref<64x128xf32, #tpu.memory_space<vmem>>[vector<16xi32>, vector<16xi32>], vector<16xf32>,
      %mul3A_548 = arith.mulf %gather3A_546, %gather3A_547 : vector<16xf32>
      %bitcast3A_549 = vector.bitcast %mul3A_548 : vector<16xf32> to vector<16xi32>
      %add3A_550 = arith.constant 32768 : i32
      %add3A_551 = vector.broadcast %add3A_550 : i32 to vector<16xi32>
      %add3A_552 = arith.addi %bitcast3A_549, %add3A_551 : vector<16xi32>
      %and3A_553 = arith.constant -65536 : i32
      %and3A_554 = vector.broadcast %and3A_553 : i32 to vector<16xi32>
      %and3A_555 = arith.andi %add3A_552, %and3A_554 : vector<16xi32>
      %bitcast3A_556 = vector.bitcast %and3A_555 : vector<16xi32> to vector<16xf32>
      %mul3A_557 = arith.mulf %bitcast3A_556, %gather3A : vector<16xf32>
      %add3A_558 = arith.addf %scan3A_503, %mul3A_557 : vector<16xf32>
      scf.yield %add3A_519, %add3A_532, %add3A_545, %add3A_558 : vector<16xf32>, vector<16xf32>, vector<16xf32>, vector<16xf32>
    }
    %scan3A_83 = arith.constant 128 : i32
    %add3A_84 = arith.addf %scan3A_82#0, %get3A_61 : vector<16xf32>
    %swap3A = arith.constant 0 : index
    %swap3A_85 = tpu.vector_load %arg19[%swap3A] {strides = array<i32>} : memref<512xf32, #tpu.memory_space<vmem>>, vector<16xf32>,
    tpu.vector_store %arg19[%swap3A], %add3A_84 {strides = array<i32>} : memref<512xf32, #tpu.memory_space<vmem>>, vector<16xf32>,
    %add3A_86 = arith.addf %scan3A_82#1, %get3A_61 : vector<16xf32>
    %swap3A_87 = arith.constant 16 : index
    %swap3A_88 = tpu.vector_load %arg19[%swap3A_87] {strides = array<i32>} : memref<512xf32, #tpu.memory_space<vmem>>, vector<16xf32>,
    tpu.vector_store %arg19[%swap3A_87], %add3A_86 {strides = array<i32>} : memref<512xf32, #tpu.memory_space<vmem>>, vector<16xf32>,
    %add3A_89 = arith.addf %scan3A_82#2, %get3A_61 : vector<16xf32>
    %swap3A_90 = arith.constant 32 : index
    %swap3A_91 = tpu.vector_load %arg19[%swap3A_90] {strides = array<i32>} : memref<512xf32, #tpu.memory_space<vmem>>, vector<16xf32>,
    tpu.vector_store %arg19[%swap3A_90], %add3A_89 {strides = array<i32>} : memref<512xf32, #tpu.memory_space<vmem>>, vector<16xf32>,
    %add3A_92 = arith.addf %scan3A_82#3, %get3A_61 : vector<16xf32>
    %swap3A_93 = arith.constant 48 : index
    %swap3A_94 = tpu.vector_load %arg19[%swap3A_93] {strides = array<i32>} : memref<512xf32, #tpu.memory_space<vmem>>, vector<16xf32>,
    tpu.vector_store %arg19[%swap3A_93], %add3A_92 {strides = array<i32>} : memref<512xf32, #tpu.memory_space<vmem>>, vector<16xf32>,
    %add3A_95 = arith.constant 0 : i32
    %add3A_96 = arith.addi %mul3A_2, %add3A_95 : i32
    %dma_start3A_97 = arith.constant 0 : i32
    %dma_start3A_98 = tpu.memref_slice %arg19[%dma_start3A_97] : memref<512xf32, #tpu.memory_space<vmem>> -> memref<64xf32, #tpu.memory_space<vmem>>
    %dma_start3A_99 = tpu.memref_slice %arg7[%add3A_96] : memref<16384xf32, #tpu.memory_space<hbm>> -> memref<64xf32, #tpu.memory_space<hbm>>
    %dma_start3A_100 = tpu.memref_slice %arg7[%add3A_96] : memref<16384xf32, #tpu.memory_space<hbm>> -> memref<64xf32, #tpu.memory_space<hbm>>
    %dma_start3A_101 = arith.constant 0 : i32
    %dma_start3A_102 = tpu.memref_slice %arg19[%dma_start3A_101] : memref<512xf32, #tpu.memory_space<vmem>> -> memref<64xf32, #tpu.memory_space<vmem>>
    tpu.enqueue_dma source(%dma_start3A_102 : memref<64xf32, #tpu.memory_space<vmem>>) target(%dma_start3A_100 : memref<64xf32, #tpu.memory_space<hbm>>) target_semaphore(%arg22 : memref<!tpu.dma_semaphore, #tpu.memory_space<semaphore_mem>>)
    %dma_start3A_103 = arith.constant 256 : i32
    %dma_start3A_104 = tpu.memref_slice %arg8[%dma_start3A_103] : memref<512xi32, #tpu.memory_space<vmem>> -> memref<64xi32, #tpu.memory_space<vmem>>
    %dma_start3A_105 = arith.constant 0 : i32
    %dma_start3A_106 = arith.constant 0 : i32
    %dma_start3A_107 = tpu.memref_slice %arg4[%dma_start3A_105, %dma_start3A_106] : memref<100000x128xf32, #tpu.memory_space<hbm>> -> memref<100000x128xf32, #tpu.memory_space<hbm>>
    tpu.enqueue_indirect_dma source(%dma_start3A_107 : memref<100000x128xf32, #tpu.memory_space<hbm>>) target(%arg10 : memref<64x128xf32, #tpu.memory_space<vmem>>) offsets(%dma_start3A_104 : memref<64xi32, #tpu.memory_space<vmem>>) semaphore(%arg20 : memref<!tpu.dma_semaphore, #tpu.memory_space<semaphore_mem>>)
    %dma_start3A_108 = arith.constant 256 : i32
    %dma_start3A_109 = tpu.memref_slice %arg9[%dma_start3A_108] : memref<512xi32, #tpu.memory_space<vmem>> -> memref<64xi32, #tpu.memory_space<vmem>>
    %dma_start3A_110 = arith.constant 0 : i32
    %dma_start3A_111 = arith.constant 0 : i32
    %dma_start3A_112 = tpu.memref_slice %arg5[%dma_start3A_110, %dma_start3A_111] : memref<1000000x128xf32, #tpu.memory_space<hbm>> -> memref<1000000x128xf32, #tpu.memory_space<hbm>>
    tpu.enqueue_indirect_dma source(%dma_start3A_112 : memref<1000000x128xf32, #tpu.memory_space<hbm>>) target(%arg14 : memref<64x128xf32, #tpu.memory_space<vmem>>) offsets(%dma_start3A_109 : memref<64xi32, #tpu.memory_space<vmem>>) semaphore(%arg21 : memref<!tpu.dma_semaphore, #tpu.memory_space<semaphore_mem>>)
    %dma_wait3A_113 = arith.constant 64 : i32
    %dma_wait3A_114 = tpu.memref_slice %arg8[%dma_wait3A_113] : memref<512xi32, #tpu.memory_space<vmem>> -> memref<64xi32, #tpu.memory_space<vmem>>
    %dma_wait3A_115 = arith.constant 0 : i32
    %dma_wait3A_116 = arith.constant 0 : i32
    %dma_wait3A_117 = tpu.memref_slice %arg4[%dma_wait3A_115, %dma_wait3A_116] : memref<100000x128xf32, #tpu.memory_space<hbm>> -> memref<100000x128xf32, #tpu.memory_space<hbm>>
    tpu.wait_indirect_dma semaphore(%arg20 : memref<!tpu.dma_semaphore, #tpu.memory_space<semaphore_mem>>) src(%dma_wait3A_117 : memref<100000x128xf32, #tpu.memory_space<hbm>>) dst(%arg11 : memref<64x128xf32, #tpu.memory_space<vmem>>)
    %dma_wait3A_118 = arith.constant 64 : i32
    %dma_wait3A_119 = tpu.memref_slice %arg9[%dma_wait3A_118] : memref<512xi32, #tpu.memory_space<vmem>> -> memref<64xi32, #tpu.memory_space<vmem>>
    %dma_wait3A_120 = arith.constant 0 : i32
    %dma_wait3A_121 = arith.constant 0 : i32
    %dma_wait3A_122 = tpu.memref_slice %arg5[%dma_wait3A_120, %dma_wait3A_121] : memref<1000000x128xf32, #tpu.memory_space<hbm>> -> memref<1000000x128xf32, #tpu.memory_space<hbm>>
    tpu.wait_indirect_dma semaphore(%arg21 : memref<!tpu.dma_semaphore, #tpu.memory_space<semaphore_mem>>) src(%dma_wait3A_122 : memref<1000000x128xf32, #tpu.memory_space<hbm>>) dst(%arg15 : memref<64x128xf32, #tpu.memory_space<vmem>>)
    %broadcast_in_dim3A_123 = arith.constant 0.000000e+00 : f32
    %broadcast_in_dim3A_124 = vector.broadcast %broadcast_in_dim3A_123 : f32 to vector<16xf32>
    %broadcast_in_dim3A_125 = arith.constant 0.000000e+00 : f32
    %broadcast_in_dim3A_126 = vector.broadcast %broadcast_in_dim3A_125 : f32 to vector<16xf32>
    %broadcast_in_dim3A_127 = arith.constant 0.000000e+00 : f32
    %broadcast_in_dim3A_128 = vector.broadcast %broadcast_in_dim3A_127 : f32 to vector<16xf32>
    %broadcast_in_dim3A_129 = arith.constant 0.000000e+00 : f32
    %broadcast_in_dim3A_130 = vector.broadcast %broadcast_in_dim3A_129 : f32 to vector<16xf32>
    %scan3A_131 = arith.constant 0 : i32
    %scan3A_132 = arith.constant 128 : i32
    %scan3A_133 = arith.addi %scan3A_131, %scan3A_132 : i32
    %scan3A_134 = arith.constant 1 : i32
    %scan3A_135:4 = scf.for %scan3A_499 = %scan3A_131 to %scan3A_133 step %scan3A_134 iter_args(%scan3A_500 = %broadcast_in_dim3A_124, %scan3A_501 = %broadcast_in_dim3A_126, %scan3A_502 = %broadcast_in_dim3A_128, %scan3A_503 = %broadcast_in_dim3A_130) -> (vector<16xf32>, vector<16xf32>, vector<16xf32>, vector<16xf32>)  : i32 {
      %add3A_504 = vector.broadcast %scan3A_499 : i32 to vector<16xi32>
      %add3A_505 = arith.addi %iota3A, %add3A_504 : vector<16xi32>
      %and3A = arith.constant 127 : i32
      %and3A_506 = vector.broadcast %and3A : i32 to vector<16xi32>
      %and3A_507 = arith.andi %add3A_505, %and3A_506 : vector<16xi32>
      %gather3A = tpu.vector_load_idx %arg18[%and3A_507] : memref<144xf32, #tpu.memory_space<vmem>>[vector<16xi32>], vector<16xf32>,
      %gather3A_508 = tpu.vector_load_idx %arg11[%add3A_51, %and3A_507] : memref<64x128xf32, #tpu.memory_space<vmem>>[vector<16xi32>, vector<16xi32>], vector<16xf32>,
      %gather3A_509 = tpu.vector_load_idx %arg15[%add3A_51, %and3A_507] : memref<64x128xf32, #tpu.memory_space<vmem>>[vector<16xi32>, vector<16xi32>], vector<16xf32>,
      %mul3A_510 = arith.mulf %gather3A_508, %gather3A_509 : vector<16xf32>
      %bitcast3A = vector.bitcast %mul3A_510 : vector<16xf32> to vector<16xi32>
      %add3A_511 = arith.constant 32768 : i32
      %add3A_512 = vector.broadcast %add3A_511 : i32 to vector<16xi32>
      %add3A_513 = arith.addi %bitcast3A, %add3A_512 : vector<16xi32>
      %and3A_514 = arith.constant -65536 : i32
      %and3A_515 = vector.broadcast %and3A_514 : i32 to vector<16xi32>
      %and3A_516 = arith.andi %add3A_513, %and3A_515 : vector<16xi32>
      %bitcast3A_517 = vector.bitcast %and3A_516 : vector<16xi32> to vector<16xf32>
      %mul3A_518 = arith.mulf %bitcast3A_517, %gather3A : vector<16xf32>
      %add3A_519 = arith.addf %scan3A_500, %mul3A_518 : vector<16xf32>
      %gather3A_520 = tpu.vector_load_idx %arg11[%add3A_54, %and3A_507] : memref<64x128xf32, #tpu.memory_space<vmem>>[vector<16xi32>, vector<16xi32>], vector<16xf32>,
      %gather3A_521 = tpu.vector_load_idx %arg15[%add3A_54, %and3A_507] : memref<64x128xf32, #tpu.memory_space<vmem>>[vector<16xi32>, vector<16xi32>], vector<16xf32>,
      %mul3A_522 = arith.mulf %gather3A_520, %gather3A_521 : vector<16xf32>
      %bitcast3A_523 = vector.bitcast %mul3A_522 : vector<16xf32> to vector<16xi32>
      %add3A_524 = arith.constant 32768 : i32
      %add3A_525 = vector.broadcast %add3A_524 : i32 to vector<16xi32>
      %add3A_526 = arith.addi %bitcast3A_523, %add3A_525 : vector<16xi32>
      %and3A_527 = arith.constant -65536 : i32
      %and3A_528 = vector.broadcast %and3A_527 : i32 to vector<16xi32>
      %and3A_529 = arith.andi %add3A_526, %and3A_528 : vector<16xi32>
      %bitcast3A_530 = vector.bitcast %and3A_529 : vector<16xi32> to vector<16xf32>
      %mul3A_531 = arith.mulf %bitcast3A_530, %gather3A : vector<16xf32>
      %add3A_532 = arith.addf %scan3A_501, %mul3A_531 : vector<16xf32>
      %gather3A_533 = tpu.vector_load_idx %arg11[%add3A_57, %and3A_507] : memref<64x128xf32, #tpu.memory_space<vmem>>[vector<16xi32>, vector<16xi32>], vector<16xf32>,
      %gather3A_534 = tpu.vector_load_idx %arg15[%add3A_57, %and3A_507] : memref<64x128xf32, #tpu.memory_space<vmem>>[vector<16xi32>, vector<16xi32>], vector<16xf32>,
      %mul3A_535 = arith.mulf %gather3A_533, %gather3A_534 : vector<16xf32>
      %bitcast3A_536 = vector.bitcast %mul3A_535 : vector<16xf32> to vector<16xi32>
      %add3A_537 = arith.constant 32768 : i32
      %add3A_538 = vector.broadcast %add3A_537 : i32 to vector<16xi32>
      %add3A_539 = arith.addi %bitcast3A_536, %add3A_538 : vector<16xi32>
      %and3A_540 = arith.constant -65536 : i32
      %and3A_541 = vector.broadcast %and3A_540 : i32 to vector<16xi32>
      %and3A_542 = arith.andi %add3A_539, %and3A_541 : vector<16xi32>
      %bitcast3A_543 = vector.bitcast %and3A_542 : vector<16xi32> to vector<16xf32>
      %mul3A_544 = arith.mulf %bitcast3A_543, %gather3A : vector<16xf32>
      %add3A_545 = arith.addf %scan3A_502, %mul3A_544 : vector<16xf32>
      %gather3A_546 = tpu.vector_load_idx %arg11[%add3A_60, %and3A_507] : memref<64x128xf32, #tpu.memory_space<vmem>>[vector<16xi32>, vector<16xi32>], vector<16xf32>,
      %gather3A_547 = tpu.vector_load_idx %arg15[%add3A_60, %and3A_507] : memref<64x128xf32, #tpu.memory_space<vmem>>[vector<16xi32>, vector<16xi32>], vector<16xf32>,
      %mul3A_548 = arith.mulf %gather3A_546, %gather3A_547 : vector<16xf32>
      %bitcast3A_549 = vector.bitcast %mul3A_548 : vector<16xf32> to vector<16xi32>
      %add3A_550 = arith.constant 32768 : i32
      %add3A_551 = vector.broadcast %add3A_550 : i32 to vector<16xi32>
      %add3A_552 = arith.addi %bitcast3A_549, %add3A_551 : vector<16xi32>
      %and3A_553 = arith.constant -65536 : i32
      %and3A_554 = vector.broadcast %and3A_553 : i32 to vector<16xi32>
      %and3A_555 = arith.andi %add3A_552, %and3A_554 : vector<16xi32>
      %bitcast3A_556 = vector.bitcast %and3A_555 : vector<16xi32> to vector<16xf32>
      %mul3A_557 = arith.mulf %bitcast3A_556, %gather3A : vector<16xf32>
      %add3A_558 = arith.addf %scan3A_503, %mul3A_557 : vector<16xf32>
      scf.yield %add3A_519, %add3A_532, %add3A_545, %add3A_558 : vector<16xf32>, vector<16xf32>, vector<16xf32>, vector<16xf32>
    }
    %scan3A_136 = arith.constant 128 : i32
    %add3A_137 = arith.addf %scan3A_135#0, %get3A_61 : vector<16xf32>
    %swap3A_138 = arith.constant 64 : index
    %swap3A_139 = tpu.vector_load %arg19[%swap3A_138] {strides = array<i32>} : memref<512xf32, #tpu.memory_space<vmem>>, vector<16xf32>,
    tpu.vector_store %arg19[%swap3A_138], %add3A_137 {strides = array<i32>} : memref<512xf32, #tpu.memory_space<vmem>>, vector<16xf32>,
    %add3A_140 = arith.addf %scan3A_135#1, %get3A_61 : vector<16xf32>
    %swap3A_141 = arith.constant 80 : index
    %swap3A_142 = tpu.vector_load %arg19[%swap3A_141] {strides = array<i32>} : memref<512xf32, #tpu.memory_space<vmem>>, vector<16xf32>,
    tpu.vector_store %arg19[%swap3A_141], %add3A_140 {strides = array<i32>} : memref<512xf32, #tpu.memory_space<vmem>>, vector<16xf32>,
    %add3A_143 = arith.addf %scan3A_135#2, %get3A_61 : vector<16xf32>
    %swap3A_144 = arith.constant 96 : index
    %swap3A_145 = tpu.vector_load %arg19[%swap3A_144] {strides = array<i32>} : memref<512xf32, #tpu.memory_space<vmem>>, vector<16xf32>,
    tpu.vector_store %arg19[%swap3A_144], %add3A_143 {strides = array<i32>} : memref<512xf32, #tpu.memory_space<vmem>>, vector<16xf32>,
    %add3A_146 = arith.addf %scan3A_135#3, %get3A_61 : vector<16xf32>
    %swap3A_147 = arith.constant 112 : index
    %swap3A_148 = tpu.vector_load %arg19[%swap3A_147] {strides = array<i32>} : memref<512xf32, #tpu.memory_space<vmem>>, vector<16xf32>,
    tpu.vector_store %arg19[%swap3A_147], %add3A_146 {strides = array<i32>} : memref<512xf32, #tpu.memory_space<vmem>>, vector<16xf32>,
    %add3A_149 = arith.constant 64 : i32
    %add3A_150 = arith.addi %mul3A_2, %add3A_149 : i32
    %dma_start3A_151 = arith.constant 64 : i32
    %dma_start3A_152 = tpu.memref_slice %arg19[%dma_start3A_151] : memref<512xf32, #tpu.memory_space<vmem>> -> memref<64xf32, #tpu.memory_space<vmem>>
    %dma_start3A_153 = tpu.memref_slice %arg7[%add3A_150] : memref<16384xf32, #tpu.memory_space<hbm>> -> memref<64xf32, #tpu.memory_space<hbm>>
    %dma_start3A_154 = tpu.memref_slice %arg7[%add3A_150] : memref<16384xf32, #tpu.memory_space<hbm>> -> memref<64xf32, #tpu.memory_space<hbm>>
    %dma_start3A_155 = arith.constant 64 : i32
    %dma_start3A_156 = tpu.memref_slice %arg19[%dma_start3A_155] : memref<512xf32, #tpu.memory_space<vmem>> -> memref<64xf32, #tpu.memory_space<vmem>>
    tpu.enqueue_dma source(%dma_start3A_156 : memref<64xf32, #tpu.memory_space<vmem>>) target(%dma_start3A_154 : memref<64xf32, #tpu.memory_space<hbm>>) target_semaphore(%arg22 : memref<!tpu.dma_semaphore, #tpu.memory_space<semaphore_mem>>)
    %dma_start3A_157 = arith.constant 320 : i32
    %dma_start3A_158 = tpu.memref_slice %arg8[%dma_start3A_157] : memref<512xi32, #tpu.memory_space<vmem>> -> memref<64xi32, #tpu.memory_space<vmem>>
    %dma_start3A_159 = arith.constant 0 : i32
    %dma_start3A_160 = arith.constant 0 : i32
    %dma_start3A_161 = tpu.memref_slice %arg4[%dma_start3A_159, %dma_start3A_160] : memref<100000x128xf32, #tpu.memory_space<hbm>> -> memref<100000x128xf32, #tpu.memory_space<hbm>>
    tpu.enqueue_indirect_dma source(%dma_start3A_161 : memref<100000x128xf32, #tpu.memory_space<hbm>>) target(%arg11 : memref<64x128xf32, #tpu.memory_space<vmem>>) offsets(%dma_start3A_158 : memref<64xi32, #tpu.memory_space<vmem>>) semaphore(%arg20 : memref<!tpu.dma_semaphore, #tpu.memory_space<semaphore_mem>>)
    %dma_start3A_162 = arith.constant 320 : i32
    %dma_start3A_163 = tpu.memref_slice %arg9[%dma_start3A_162] : memref<512xi32, #tpu.memory_space<vmem>> -> memref<64xi32, #tpu.memory_space<vmem>>
    %dma_start3A_164 = arith.constant 0 : i32
    %dma_start3A_165 = arith.constant 0 : i32
    %dma_start3A_166 = tpu.memref_slice %arg5[%dma_start3A_164, %dma_start3A_165] : memref<1000000x128xf32, #tpu.memory_space<hbm>> -> memref<1000000x128xf32, #tpu.memory_space<hbm>>
    tpu.enqueue_indirect_dma source(%dma_start3A_166 : memref<1000000x128xf32, #tpu.memory_space<hbm>>) target(%arg15 : memref<64x128xf32, #tpu.memory_space<vmem>>) offsets(%dma_start3A_163 : memref<64xi32, #tpu.memory_space<vmem>>) semaphore(%arg21 : memref<!tpu.dma_semaphore, #tpu.memory_space<semaphore_mem>>)
    %dma_wait3A_167 = arith.constant 128 : i32
    %dma_wait3A_168 = tpu.memref_slice %arg8[%dma_wait3A_167] : memref<512xi32, #tpu.memory_space<vmem>> -> memref<64xi32, #tpu.memory_space<vmem>>
    %dma_wait3A_169 = arith.constant 0 : i32
    %dma_wait3A_170 = arith.constant 0 : i32
    %dma_wait3A_171 = tpu.memref_slice %arg4[%dma_wait3A_169, %dma_wait3A_170] : memref<100000x128xf32, #tpu.memory_space<hbm>> -> memref<100000x128xf32, #tpu.memory_space<hbm>>
    tpu.wait_indirect_dma semaphore(%arg20 : memref<!tpu.dma_semaphore, #tpu.memory_space<semaphore_mem>>) src(%dma_wait3A_171 : memref<100000x128xf32, #tpu.memory_space<hbm>>) dst(%arg12 : memref<64x128xf32, #tpu.memory_space<vmem>>)
    %dma_wait3A_172 = arith.constant 128 : i32
    %dma_wait3A_173 = tpu.memref_slice %arg9[%dma_wait3A_172] : memref<512xi32, #tpu.memory_space<vmem>> -> memref<64xi32, #tpu.memory_space<vmem>>
    %dma_wait3A_174 = arith.constant 0 : i32
    %dma_wait3A_175 = arith.constant 0 : i32
    %dma_wait3A_176 = tpu.memref_slice %arg5[%dma_wait3A_174, %dma_wait3A_175] : memref<1000000x128xf32, #tpu.memory_space<hbm>> -> memref<1000000x128xf32, #tpu.memory_space<hbm>>
    tpu.wait_indirect_dma semaphore(%arg21 : memref<!tpu.dma_semaphore, #tpu.memory_space<semaphore_mem>>) src(%dma_wait3A_176 : memref<1000000x128xf32, #tpu.memory_space<hbm>>) dst(%arg16 : memref<64x128xf32, #tpu.memory_space<vmem>>)
    %broadcast_in_dim3A_177 = arith.constant 0.000000e+00 : f32
    %broadcast_in_dim3A_178 = vector.broadcast %broadcast_in_dim3A_177 : f32 to vector<16xf32>
    %broadcast_in_dim3A_179 = arith.constant 0.000000e+00 : f32
    %broadcast_in_dim3A_180 = vector.broadcast %broadcast_in_dim3A_179 : f32 to vector<16xf32>
    %broadcast_in_dim3A_181 = arith.constant 0.000000e+00 : f32
    %broadcast_in_dim3A_182 = vector.broadcast %broadcast_in_dim3A_181 : f32 to vector<16xf32>
    %broadcast_in_dim3A_183 = arith.constant 0.000000e+00 : f32
    %broadcast_in_dim3A_184 = vector.broadcast %broadcast_in_dim3A_183 : f32 to vector<16xf32>
    %scan3A_185 = arith.constant 0 : i32
    %scan3A_186 = arith.constant 128 : i32
    %scan3A_187 = arith.addi %scan3A_185, %scan3A_186 : i32
    %scan3A_188 = arith.constant 1 : i32
    %scan3A_189:4 = scf.for %scan3A_499 = %scan3A_185 to %scan3A_187 step %scan3A_188 iter_args(%scan3A_500 = %broadcast_in_dim3A_178, %scan3A_501 = %broadcast_in_dim3A_180, %scan3A_502 = %broadcast_in_dim3A_182, %scan3A_503 = %broadcast_in_dim3A_184) -> (vector<16xf32>, vector<16xf32>, vector<16xf32>, vector<16xf32>)  : i32 {
      %add3A_504 = vector.broadcast %scan3A_499 : i32 to vector<16xi32>
      %add3A_505 = arith.addi %iota3A, %add3A_504 : vector<16xi32>
      %and3A = arith.constant 127 : i32
      %and3A_506 = vector.broadcast %and3A : i32 to vector<16xi32>
      %and3A_507 = arith.andi %add3A_505, %and3A_506 : vector<16xi32>
      %gather3A = tpu.vector_load_idx %arg18[%and3A_507] : memref<144xf32, #tpu.memory_space<vmem>>[vector<16xi32>], vector<16xf32>,
      %gather3A_508 = tpu.vector_load_idx %arg12[%add3A_51, %and3A_507] : memref<64x128xf32, #tpu.memory_space<vmem>>[vector<16xi32>, vector<16xi32>], vector<16xf32>,
      %gather3A_509 = tpu.vector_load_idx %arg16[%add3A_51, %and3A_507] : memref<64x128xf32, #tpu.memory_space<vmem>>[vector<16xi32>, vector<16xi32>], vector<16xf32>,
      %mul3A_510 = arith.mulf %gather3A_508, %gather3A_509 : vector<16xf32>
      %bitcast3A = vector.bitcast %mul3A_510 : vector<16xf32> to vector<16xi32>
      %add3A_511 = arith.constant 32768 : i32
      %add3A_512 = vector.broadcast %add3A_511 : i32 to vector<16xi32>
      %add3A_513 = arith.addi %bitcast3A, %add3A_512 : vector<16xi32>
      %and3A_514 = arith.constant -65536 : i32
      %and3A_515 = vector.broadcast %and3A_514 : i32 to vector<16xi32>
      %and3A_516 = arith.andi %add3A_513, %and3A_515 : vector<16xi32>
      %bitcast3A_517 = vector.bitcast %and3A_516 : vector<16xi32> to vector<16xf32>
      %mul3A_518 = arith.mulf %bitcast3A_517, %gather3A : vector<16xf32>
      %add3A_519 = arith.addf %scan3A_500, %mul3A_518 : vector<16xf32>
      %gather3A_520 = tpu.vector_load_idx %arg12[%add3A_54, %and3A_507] : memref<64x128xf32, #tpu.memory_space<vmem>>[vector<16xi32>, vector<16xi32>], vector<16xf32>,
      %gather3A_521 = tpu.vector_load_idx %arg16[%add3A_54, %and3A_507] : memref<64x128xf32, #tpu.memory_space<vmem>>[vector<16xi32>, vector<16xi32>], vector<16xf32>,
      %mul3A_522 = arith.mulf %gather3A_520, %gather3A_521 : vector<16xf32>
      %bitcast3A_523 = vector.bitcast %mul3A_522 : vector<16xf32> to vector<16xi32>
      %add3A_524 = arith.constant 32768 : i32
      %add3A_525 = vector.broadcast %add3A_524 : i32 to vector<16xi32>
      %add3A_526 = arith.addi %bitcast3A_523, %add3A_525 : vector<16xi32>
      %and3A_527 = arith.constant -65536 : i32
      %and3A_528 = vector.broadcast %and3A_527 : i32 to vector<16xi32>
      %and3A_529 = arith.andi %add3A_526, %and3A_528 : vector<16xi32>
      %bitcast3A_530 = vector.bitcast %and3A_529 : vector<16xi32> to vector<16xf32>
      %mul3A_531 = arith.mulf %bitcast3A_530, %gather3A : vector<16xf32>
      %add3A_532 = arith.addf %scan3A_501, %mul3A_531 : vector<16xf32>
      %gather3A_533 = tpu.vector_load_idx %arg12[%add3A_57, %and3A_507] : memref<64x128xf32, #tpu.memory_space<vmem>>[vector<16xi32>, vector<16xi32>], vector<16xf32>,
      %gather3A_534 = tpu.vector_load_idx %arg16[%add3A_57, %and3A_507] : memref<64x128xf32, #tpu.memory_space<vmem>>[vector<16xi32>, vector<16xi32>], vector<16xf32>,
      %mul3A_535 = arith.mulf %gather3A_533, %gather3A_534 : vector<16xf32>
      %bitcast3A_536 = vector.bitcast %mul3A_535 : vector<16xf32> to vector<16xi32>
      %add3A_537 = arith.constant 32768 : i32
      %add3A_538 = vector.broadcast %add3A_537 : i32 to vector<16xi32>
      %add3A_539 = arith.addi %bitcast3A_536, %add3A_538 : vector<16xi32>
      %and3A_540 = arith.constant -65536 : i32
      %and3A_541 = vector.broadcast %and3A_540 : i32 to vector<16xi32>
      %and3A_542 = arith.andi %add3A_539, %and3A_541 : vector<16xi32>
      %bitcast3A_543 = vector.bitcast %and3A_542 : vector<16xi32> to vector<16xf32>
      %mul3A_544 = arith.mulf %bitcast3A_543, %gather3A : vector<16xf32>
      %add3A_545 = arith.addf %scan3A_502, %mul3A_544 : vector<16xf32>
      %gather3A_546 = tpu.vector_load_idx %arg12[%add3A_60, %and3A_507] : memref<64x128xf32, #tpu.memory_space<vmem>>[vector<16xi32>, vector<16xi32>], vector<16xf32>,
      %gather3A_547 = tpu.vector_load_idx %arg16[%add3A_60, %and3A_507] : memref<64x128xf32, #tpu.memory_space<vmem>>[vector<16xi32>, vector<16xi32>], vector<16xf32>,
      %mul3A_548 = arith.mulf %gather3A_546, %gather3A_547 : vector<16xf32>
      %bitcast3A_549 = vector.bitcast %mul3A_548 : vector<16xf32> to vector<16xi32>
      %add3A_550 = arith.constant 32768 : i32
      %add3A_551 = vector.broadcast %add3A_550 : i32 to vector<16xi32>
      %add3A_552 = arith.addi %bitcast3A_549, %add3A_551 : vector<16xi32>
      %and3A_553 = arith.constant -65536 : i32
      %and3A_554 = vector.broadcast %and3A_553 : i32 to vector<16xi32>
      %and3A_555 = arith.andi %add3A_552, %and3A_554 : vector<16xi32>
      %bitcast3A_556 = vector.bitcast %and3A_555 : vector<16xi32> to vector<16xf32>
      %mul3A_557 = arith.mulf %bitcast3A_556, %gather3A : vector<16xf32>
      %add3A_558 = arith.addf %scan3A_503, %mul3A_557 : vector<16xf32>
      scf.yield %add3A_519, %add3A_532, %add3A_545, %add3A_558 : vector<16xf32>, vector<16xf32>, vector<16xf32>, vector<16xf32>
    }
    %scan3A_190 = arith.constant 128 : i32
    %add3A_191 = arith.addf %scan3A_189#0, %get3A_61 : vector<16xf32>
    %swap3A_192 = arith.constant 128 : index
    %swap3A_193 = tpu.vector_load %arg19[%swap3A_192] {strides = array<i32>} : memref<512xf32, #tpu.memory_space<vmem>>, vector<16xf32>,
    tpu.vector_store %arg19[%swap3A_192], %add3A_191 {strides = array<i32>} : memref<512xf32, #tpu.memory_space<vmem>>, vector<16xf32>,
    %add3A_194 = arith.addf %scan3A_189#1, %get3A_61 : vector<16xf32>
    %swap3A_195 = arith.constant 144 : index
    %swap3A_196 = tpu.vector_load %arg19[%swap3A_195] {strides = array<i32>} : memref<512xf32, #tpu.memory_space<vmem>>, vector<16xf32>,
    tpu.vector_store %arg19[%swap3A_195], %add3A_194 {strides = array<i32>} : memref<512xf32, #tpu.memory_space<vmem>>, vector<16xf32>,
    %add3A_197 = arith.addf %scan3A_189#2, %get3A_61 : vector<16xf32>
    %swap3A_198 = arith.constant 160 : index
    %swap3A_199 = tpu.vector_load %arg19[%swap3A_198] {strides = array<i32>} : memref<512xf32, #tpu.memory_space<vmem>>, vector<16xf32>,
    tpu.vector_store %arg19[%swap3A_198], %add3A_197 {strides = array<i32>} : memref<512xf32, #tpu.memory_space<vmem>>, vector<16xf32>,
    %add3A_200 = arith.addf %scan3A_189#3, %get3A_61 : vector<16xf32>
    %swap3A_201 = arith.constant 176 : index
    %swap3A_202 = tpu.vector_load %arg19[%swap3A_201] {strides = array<i32>} : memref<512xf32, #tpu.memory_space<vmem>>, vector<16xf32>,
    tpu.vector_store %arg19[%swap3A_201], %add3A_200 {strides = array<i32>} : memref<512xf32, #tpu.memory_space<vmem>>, vector<16xf32>,
    %add3A_203 = arith.constant 128 : i32
    %add3A_204 = arith.addi %mul3A_2, %add3A_203 : i32
    %dma_start3A_205 = arith.constant 128 : i32
    %dma_start3A_206 = tpu.memref_slice %arg19[%dma_start3A_205] : memref<512xf32, #tpu.memory_space<vmem>> -> memref<64xf32, #tpu.memory_space<vmem>>
    %dma_start3A_207 = tpu.memref_slice %arg7[%add3A_204] : memref<16384xf32, #tpu.memory_space<hbm>> -> memref<64xf32, #tpu.memory_space<hbm>>
    %dma_start3A_208 = tpu.memref_slice %arg7[%add3A_204] : memref<16384xf32, #tpu.memory_space<hbm>> -> memref<64xf32, #tpu.memory_space<hbm>>
    %dma_start3A_209 = arith.constant 128 : i32
    %dma_start3A_210 = tpu.memref_slice %arg19[%dma_start3A_209] : memref<512xf32, #tpu.memory_space<vmem>> -> memref<64xf32, #tpu.memory_space<vmem>>
    tpu.enqueue_dma source(%dma_start3A_210 : memref<64xf32, #tpu.memory_space<vmem>>) target(%dma_start3A_208 : memref<64xf32, #tpu.memory_space<hbm>>) target_semaphore(%arg22 : memref<!tpu.dma_semaphore, #tpu.memory_space<semaphore_mem>>)
    %dma_start3A_211 = arith.constant 384 : i32
    %dma_start3A_212 = tpu.memref_slice %arg8[%dma_start3A_211] : memref<512xi32, #tpu.memory_space<vmem>> -> memref<64xi32, #tpu.memory_space<vmem>>
    %dma_start3A_213 = arith.constant 0 : i32
    %dma_start3A_214 = arith.constant 0 : i32
    %dma_start3A_215 = tpu.memref_slice %arg4[%dma_start3A_213, %dma_start3A_214] : memref<100000x128xf32, #tpu.memory_space<hbm>> -> memref<100000x128xf32, #tpu.memory_space<hbm>>
    tpu.enqueue_indirect_dma source(%dma_start3A_215 : memref<100000x128xf32, #tpu.memory_space<hbm>>) target(%arg12 : memref<64x128xf32, #tpu.memory_space<vmem>>) offsets(%dma_start3A_212 : memref<64xi32, #tpu.memory_space<vmem>>) semaphore(%arg20 : memref<!tpu.dma_semaphore, #tpu.memory_space<semaphore_mem>>)
    %dma_start3A_216 = arith.constant 384 : i32
    %dma_start3A_217 = tpu.memref_slice %arg9[%dma_start3A_216] : memref<512xi32, #tpu.memory_space<vmem>> -> memref<64xi32, #tpu.memory_space<vmem>>
    %dma_start3A_218 = arith.constant 0 : i32
    %dma_start3A_219 = arith.constant 0 : i32
    %dma_start3A_220 = tpu.memref_slice %arg5[%dma_start3A_218, %dma_start3A_219] : memref<1000000x128xf32, #tpu.memory_space<hbm>> -> memref<1000000x128xf32, #tpu.memory_space<hbm>>
    tpu.enqueue_indirect_dma source(%dma_start3A_220 : memref<1000000x128xf32, #tpu.memory_space<hbm>>) target(%arg16 : memref<64x128xf32, #tpu.memory_space<vmem>>) offsets(%dma_start3A_217 : memref<64xi32, #tpu.memory_space<vmem>>) semaphore(%arg21 : memref<!tpu.dma_semaphore, #tpu.memory_space<semaphore_mem>>)
    %dma_wait3A_221 = arith.constant 192 : i32
    %dma_wait3A_222 = tpu.memref_slice %arg8[%dma_wait3A_221] : memref<512xi32, #tpu.memory_space<vmem>> -> memref<64xi32, #tpu.memory_space<vmem>>
    %dma_wait3A_223 = arith.constant 0 : i32
    %dma_wait3A_224 = arith.constant 0 : i32
    %dma_wait3A_225 = tpu.memref_slice %arg4[%dma_wait3A_223, %dma_wait3A_224] : memref<100000x128xf32, #tpu.memory_space<hbm>> -> memref<100000x128xf32, #tpu.memory_space<hbm>>
    tpu.wait_indirect_dma semaphore(%arg20 : memref<!tpu.dma_semaphore, #tpu.memory_space<semaphore_mem>>) src(%dma_wait3A_225 : memref<100000x128xf32, #tpu.memory_space<hbm>>) dst(%arg13 : memref<64x128xf32, #tpu.memory_space<vmem>>)
    %dma_wait3A_226 = arith.constant 192 : i32
    %dma_wait3A_227 = tpu.memref_slice %arg9[%dma_wait3A_226] : memref<512xi32, #tpu.memory_space<vmem>> -> memref<64xi32, #tpu.memory_space<vmem>>
    %dma_wait3A_228 = arith.constant 0 : i32
    %dma_wait3A_229 = arith.constant 0 : i32
    %dma_wait3A_230 = tpu.memref_slice %arg5[%dma_wait3A_228, %dma_wait3A_229] : memref<1000000x128xf32, #tpu.memory_space<hbm>> -> memref<1000000x128xf32, #tpu.memory_space<hbm>>
    tpu.wait_indirect_dma semaphore(%arg21 : memref<!tpu.dma_semaphore, #tpu.memory_space<semaphore_mem>>) src(%dma_wait3A_230 : memref<1000000x128xf32, #tpu.memory_space<hbm>>) dst(%arg17 : memref<64x128xf32, #tpu.memory_space<vmem>>)
    %broadcast_in_dim3A_231 = arith.constant 0.000000e+00 : f32
    %broadcast_in_dim3A_232 = vector.broadcast %broadcast_in_dim3A_231 : f32 to vector<16xf32>
    %broadcast_in_dim3A_233 = arith.constant 0.000000e+00 : f32
    %broadcast_in_dim3A_234 = vector.broadcast %broadcast_in_dim3A_233 : f32 to vector<16xf32>
    %broadcast_in_dim3A_235 = arith.constant 0.000000e+00 : f32
    %broadcast_in_dim3A_236 = vector.broadcast %broadcast_in_dim3A_235 : f32 to vector<16xf32>
    %broadcast_in_dim3A_237 = arith.constant 0.000000e+00 : f32
    %broadcast_in_dim3A_238 = vector.broadcast %broadcast_in_dim3A_237 : f32 to vector<16xf32>
    %scan3A_239 = arith.constant 0 : i32
    %scan3A_240 = arith.constant 128 : i32
    %scan3A_241 = arith.addi %scan3A_239, %scan3A_240 : i32
    %scan3A_242 = arith.constant 1 : i32
    %scan3A_243:4 = scf.for %scan3A_499 = %scan3A_239 to %scan3A_241 step %scan3A_242 iter_args(%scan3A_500 = %broadcast_in_dim3A_232, %scan3A_501 = %broadcast_in_dim3A_234, %scan3A_502 = %broadcast_in_dim3A_236, %scan3A_503 = %broadcast_in_dim3A_238) -> (vector<16xf32>, vector<16xf32>, vector<16xf32>, vector<16xf32>)  : i32 {
      %add3A_504 = vector.broadcast %scan3A_499 : i32 to vector<16xi32>
      %add3A_505 = arith.addi %iota3A, %add3A_504 : vector<16xi32>
      %and3A = arith.constant 127 : i32
      %and3A_506 = vector.broadcast %and3A : i32 to vector<16xi32>
      %and3A_507 = arith.andi %add3A_505, %and3A_506 : vector<16xi32>
      %gather3A = tpu.vector_load_idx %arg18[%and3A_507] : memref<144xf32, #tpu.memory_space<vmem>>[vector<16xi32>], vector<16xf32>,
      %gather3A_508 = tpu.vector_load_idx %arg13[%add3A_51, %and3A_507] : memref<64x128xf32, #tpu.memory_space<vmem>>[vector<16xi32>, vector<16xi32>], vector<16xf32>,
      %gather3A_509 = tpu.vector_load_idx %arg17[%add3A_51, %and3A_507] : memref<64x128xf32, #tpu.memory_space<vmem>>[vector<16xi32>, vector<16xi32>], vector<16xf32>,
      %mul3A_510 = arith.mulf %gather3A_508, %gather3A_509 : vector<16xf32>
      %bitcast3A = vector.bitcast %mul3A_510 : vector<16xf32> to vector<16xi32>
      %add3A_511 = arith.constant 32768 : i32
      %add3A_512 = vector.broadcast %add3A_511 : i32 to vector<16xi32>
      %add3A_513 = arith.addi %bitcast3A, %add3A_512 : vector<16xi32>
      %and3A_514 = arith.constant -65536 : i32
      %and3A_515 = vector.broadcast %and3A_514 : i32 to vector<16xi32>
      %and3A_516 = arith.andi %add3A_513, %and3A_515 : vector<16xi32>
      %bitcast3A_517 = vector.bitcast %and3A_516 : vector<16xi32> to vector<16xf32>
      %mul3A_518 = arith.mulf %bitcast3A_517, %gather3A : vector<16xf32>
      %add3A_519 = arith.addf %scan3A_500, %mul3A_518 : vector<16xf32>
      %gather3A_520 = tpu.vector_load_idx %arg13[%add3A_54, %and3A_507] : memref<64x128xf32, #tpu.memory_space<vmem>>[vector<16xi32>, vector<16xi32>], vector<16xf32>,
      %gather3A_521 = tpu.vector_load_idx %arg17[%add3A_54, %and3A_507] : memref<64x128xf32, #tpu.memory_space<vmem>>[vector<16xi32>, vector<16xi32>], vector<16xf32>,
      %mul3A_522 = arith.mulf %gather3A_520, %gather3A_521 : vector<16xf32>
      %bitcast3A_523 = vector.bitcast %mul3A_522 : vector<16xf32> to vector<16xi32>
      %add3A_524 = arith.constant 32768 : i32
      %add3A_525 = vector.broadcast %add3A_524 : i32 to vector<16xi32>
      %add3A_526 = arith.addi %bitcast3A_523, %add3A_525 : vector<16xi32>
      %and3A_527 = arith.constant -65536 : i32
      %and3A_528 = vector.broadcast %and3A_527 : i32 to vector<16xi32>
      %and3A_529 = arith.andi %add3A_526, %and3A_528 : vector<16xi32>
      %bitcast3A_530 = vector.bitcast %and3A_529 : vector<16xi32> to vector<16xf32>
      %mul3A_531 = arith.mulf %bitcast3A_530, %gather3A : vector<16xf32>
      %add3A_532 = arith.addf %scan3A_501, %mul3A_531 : vector<16xf32>
      %gather3A_533 = tpu.vector_load_idx %arg13[%add3A_57, %and3A_507] : memref<64x128xf32, #tpu.memory_space<vmem>>[vector<16xi32>, vector<16xi32>], vector<16xf32>,
      %gather3A_534 = tpu.vector_load_idx %arg17[%add3A_57, %and3A_507] : memref<64x128xf32, #tpu.memory_space<vmem>>[vector<16xi32>, vector<16xi32>], vector<16xf32>,
      %mul3A_535 = arith.mulf %gather3A_533, %gather3A_534 : vector<16xf32>
      %bitcast3A_536 = vector.bitcast %mul3A_535 : vector<16xf32> to vector<16xi32>
      %add3A_537 = arith.constant 32768 : i32
      %add3A_538 = vector.broadcast %add3A_537 : i32 to vector<16xi32>
      %add3A_539 = arith.addi %bitcast3A_536, %add3A_538 : vector<16xi32>
      %and3A_540 = arith.constant -65536 : i32
      %and3A_541 = vector.broadcast %and3A_540 : i32 to vector<16xi32>
      %and3A_542 = arith.andi %add3A_539, %and3A_541 : vector<16xi32>
      %bitcast3A_543 = vector.bitcast %and3A_542 : vector<16xi32> to vector<16xf32>
      %mul3A_544 = arith.mulf %bitcast3A_543, %gather3A : vector<16xf32>
      %add3A_545 = arith.addf %scan3A_502, %mul3A_544 : vector<16xf32>
      %gather3A_546 = tpu.vector_load_idx %arg13[%add3A_60, %and3A_507] : memref<64x128xf32, #tpu.memory_space<vmem>>[vector<16xi32>, vector<16xi32>], vector<16xf32>,
      %gather3A_547 = tpu.vector_load_idx %arg17[%add3A_60, %and3A_507] : memref<64x128xf32, #tpu.memory_space<vmem>>[vector<16xi32>, vector<16xi32>], vector<16xf32>,
      %mul3A_548 = arith.mulf %gather3A_546, %gather3A_547 : vector<16xf32>
      %bitcast3A_549 = vector.bitcast %mul3A_548 : vector<16xf32> to vector<16xi32>
      %add3A_550 = arith.constant 32768 : i32
      %add3A_551 = vector.broadcast %add3A_550 : i32 to vector<16xi32>
      %add3A_552 = arith.addi %bitcast3A_549, %add3A_551 : vector<16xi32>
      %and3A_553 = arith.constant -65536 : i32
      %and3A_554 = vector.broadcast %and3A_553 : i32 to vector<16xi32>
      %and3A_555 = arith.andi %add3A_552, %and3A_554 : vector<16xi32>
      %bitcast3A_556 = vector.bitcast %and3A_555 : vector<16xi32> to vector<16xf32>
      %mul3A_557 = arith.mulf %bitcast3A_556, %gather3A : vector<16xf32>
      %add3A_558 = arith.addf %scan3A_503, %mul3A_557 : vector<16xf32>
      scf.yield %add3A_519, %add3A_532, %add3A_545, %add3A_558 : vector<16xf32>, vector<16xf32>, vector<16xf32>, vector<16xf32>
    }
    %scan3A_244 = arith.constant 128 : i32
    %add3A_245 = arith.addf %scan3A_243#0, %get3A_61 : vector<16xf32>
    %swap3A_246 = arith.constant 192 : index
    %swap3A_247 = tpu.vector_load %arg19[%swap3A_246] {strides = array<i32>} : memref<512xf32, #tpu.memory_space<vmem>>, vector<16xf32>,
    tpu.vector_store %arg19[%swap3A_246], %add3A_245 {strides = array<i32>} : memref<512xf32, #tpu.memory_space<vmem>>, vector<16xf32>,
    %add3A_248 = arith.addf %scan3A_243#1, %get3A_61 : vector<16xf32>
    %swap3A_249 = arith.constant 208 : index
    %swap3A_250 = tpu.vector_load %arg19[%swap3A_249] {strides = array<i32>} : memref<512xf32, #tpu.memory_space<vmem>>, vector<16xf32>,
    tpu.vector_store %arg19[%swap3A_249], %add3A_248 {strides = array<i32>} : memref<512xf32, #tpu.memory_space<vmem>>, vector<16xf32>,
    %add3A_251 = arith.addf %scan3A_243#2, %get3A_61 : vector<16xf32>
    %swap3A_252 = arith.constant 224 : index
    %swap3A_253 = tpu.vector_load %arg19[%swap3A_252] {strides = array<i32>} : memref<512xf32, #tpu.memory_space<vmem>>, vector<16xf32>,
    tpu.vector_store %arg19[%swap3A_252], %add3A_251 {strides = array<i32>} : memref<512xf32, #tpu.memory_space<vmem>>, vector<16xf32>,
    %add3A_254 = arith.addf %scan3A_243#3, %get3A_61 : vector<16xf32>
    %swap3A_255 = arith.constant 240 : index
    %swap3A_256 = tpu.vector_load %arg19[%swap3A_255] {strides = array<i32>} : memref<512xf32, #tpu.memory_space<vmem>>, vector<16xf32>,
    tpu.vector_store %arg19[%swap3A_255], %add3A_254 {strides = array<i32>} : memref<512xf32, #tpu.memory_space<vmem>>, vector<16xf32>,
    %add3A_257 = arith.constant 192 : i32
    %add3A_258 = arith.addi %mul3A_2, %add3A_257 : i32
    %dma_start3A_259 = arith.constant 192 : i32
    %dma_start3A_260 = tpu.memref_slice %arg19[%dma_start3A_259] : memref<512xf32, #tpu.memory_space<vmem>> -> memref<64xf32, #tpu.memory_space<vmem>>
    %dma_start3A_261 = tpu.memref_slice %arg7[%add3A_258] : memref<16384xf32, #tpu.memory_space<hbm>> -> memref<64xf32, #tpu.memory_space<hbm>>
    %dma_start3A_262 = tpu.memref_slice %arg7[%add3A_258] : memref<16384xf32, #tpu.memory_space<hbm>> -> memref<64xf32, #tpu.memory_space<hbm>>
    %dma_start3A_263 = arith.constant 192 : i32
    %dma_start3A_264 = tpu.memref_slice %arg19[%dma_start3A_263] : memref<512xf32, #tpu.memory_space<vmem>> -> memref<64xf32, #tpu.memory_space<vmem>>
    tpu.enqueue_dma source(%dma_start3A_264 : memref<64xf32, #tpu.memory_space<vmem>>) target(%dma_start3A_262 : memref<64xf32, #tpu.memory_space<hbm>>) target_semaphore(%arg22 : memref<!tpu.dma_semaphore, #tpu.memory_space<semaphore_mem>>)
    %dma_start3A_265 = arith.constant 448 : i32
    %dma_start3A_266 = tpu.memref_slice %arg8[%dma_start3A_265] : memref<512xi32, #tpu.memory_space<vmem>> -> memref<64xi32, #tpu.memory_space<vmem>>
    %dma_start3A_267 = arith.constant 0 : i32
    %dma_start3A_268 = arith.constant 0 : i32
    %dma_start3A_269 = tpu.memref_slice %arg4[%dma_start3A_267, %dma_start3A_268] : memref<100000x128xf32, #tpu.memory_space<hbm>> -> memref<100000x128xf32, #tpu.memory_space<hbm>>
    tpu.enqueue_indirect_dma source(%dma_start3A_269 : memref<100000x128xf32, #tpu.memory_space<hbm>>) target(%arg13 : memref<64x128xf32, #tpu.memory_space<vmem>>) offsets(%dma_start3A_266 : memref<64xi32, #tpu.memory_space<vmem>>) semaphore(%arg20 : memref<!tpu.dma_semaphore, #tpu.memory_space<semaphore_mem>>)
    %dma_start3A_270 = arith.constant 448 : i32
    %dma_start3A_271 = tpu.memref_slice %arg9[%dma_start3A_270] : memref<512xi32, #tpu.memory_space<vmem>> -> memref<64xi32, #tpu.memory_space<vmem>>
    %dma_start3A_272 = arith.constant 0 : i32
    %dma_start3A_273 = arith.constant 0 : i32
    %dma_start3A_274 = tpu.memref_slice %arg5[%dma_start3A_272, %dma_start3A_273] : memref<1000000x128xf32, #tpu.memory_space<hbm>> -> memref<1000000x128xf32, #tpu.memory_space<hbm>>
    tpu.enqueue_indirect_dma source(%dma_start3A_274 : memref<1000000x128xf32, #tpu.memory_space<hbm>>) target(%arg17 : memref<64x128xf32, #tpu.memory_space<vmem>>) offsets(%dma_start3A_271 : memref<64xi32, #tpu.memory_space<vmem>>) semaphore(%arg21 : memref<!tpu.dma_semaphore, #tpu.memory_space<semaphore_mem>>)
    %dma_wait3A_275 = arith.constant 256 : i32
    %dma_wait3A_276 = tpu.memref_slice %arg8[%dma_wait3A_275] : memref<512xi32, #tpu.memory_space<vmem>> -> memref<64xi32, #tpu.memory_space<vmem>>
    %dma_wait3A_277 = arith.constant 0 : i32
    %dma_wait3A_278 = arith.constant 0 : i32
    %dma_wait3A_279 = tpu.memref_slice %arg4[%dma_wait3A_277, %dma_wait3A_278] : memref<100000x128xf32, #tpu.memory_space<hbm>> -> memref<100000x128xf32, #tpu.memory_space<hbm>>
    tpu.wait_indirect_dma semaphore(%arg20 : memref<!tpu.dma_semaphore, #tpu.memory_space<semaphore_mem>>) src(%dma_wait3A_279 : memref<100000x128xf32, #tpu.memory_space<hbm>>) dst(%arg10 : memref<64x128xf32, #tpu.memory_space<vmem>>)
    %dma_wait3A_280 = arith.constant 256 : i32
    %dma_wait3A_281 = tpu.memref_slice %arg9[%dma_wait3A_280] : memref<512xi32, #tpu.memory_space<vmem>> -> memref<64xi32, #tpu.memory_space<vmem>>
    %dma_wait3A_282 = arith.constant 0 : i32
    %dma_wait3A_283 = arith.constant 0 : i32
    %dma_wait3A_284 = tpu.memref_slice %arg5[%dma_wait3A_282, %dma_wait3A_283] : memref<1000000x128xf32, #tpu.memory_space<hbm>> -> memref<1000000x128xf32, #tpu.memory_space<hbm>>
    tpu.wait_indirect_dma semaphore(%arg21 : memref<!tpu.dma_semaphore, #tpu.memory_space<semaphore_mem>>) src(%dma_wait3A_284 : memref<1000000x128xf32, #tpu.memory_space<hbm>>) dst(%arg14 : memref<64x128xf32, #tpu.memory_space<vmem>>)
    %broadcast_in_dim3A_285 = arith.constant 0.000000e+00 : f32
    %broadcast_in_dim3A_286 = vector.broadcast %broadcast_in_dim3A_285 : f32 to vector<16xf32>
    %broadcast_in_dim3A_287 = arith.constant 0.000000e+00 : f32
    %broadcast_in_dim3A_288 = vector.broadcast %broadcast_in_dim3A_287 : f32 to vector<16xf32>
    %broadcast_in_dim3A_289 = arith.constant 0.000000e+00 : f32
    %broadcast_in_dim3A_290 = vector.broadcast %broadcast_in_dim3A_289 : f32 to vector<16xf32>
    %broadcast_in_dim3A_291 = arith.constant 0.000000e+00 : f32
    %broadcast_in_dim3A_292 = vector.broadcast %broadcast_in_dim3A_291 : f32 to vector<16xf32>
    %scan3A_293 = arith.constant 0 : i32
    %scan3A_294 = arith.constant 128 : i32
    %scan3A_295 = arith.addi %scan3A_293, %scan3A_294 : i32
    %scan3A_296 = arith.constant 1 : i32
    %scan3A_297:4 = scf.for %scan3A_499 = %scan3A_293 to %scan3A_295 step %scan3A_296 iter_args(%scan3A_500 = %broadcast_in_dim3A_286, %scan3A_501 = %broadcast_in_dim3A_288, %scan3A_502 = %broadcast_in_dim3A_290, %scan3A_503 = %broadcast_in_dim3A_292) -> (vector<16xf32>, vector<16xf32>, vector<16xf32>, vector<16xf32>)  : i32 {
      %add3A_504 = vector.broadcast %scan3A_499 : i32 to vector<16xi32>
      %add3A_505 = arith.addi %iota3A, %add3A_504 : vector<16xi32>
      %and3A = arith.constant 127 : i32
      %and3A_506 = vector.broadcast %and3A : i32 to vector<16xi32>
      %and3A_507 = arith.andi %add3A_505, %and3A_506 : vector<16xi32>
      %gather3A = tpu.vector_load_idx %arg18[%and3A_507] : memref<144xf32, #tpu.memory_space<vmem>>[vector<16xi32>], vector<16xf32>,
      %gather3A_508 = tpu.vector_load_idx %arg10[%add3A_51, %and3A_507] : memref<64x128xf32, #tpu.memory_space<vmem>>[vector<16xi32>, vector<16xi32>], vector<16xf32>,
      %gather3A_509 = tpu.vector_load_idx %arg14[%add3A_51, %and3A_507] : memref<64x128xf32, #tpu.memory_space<vmem>>[vector<16xi32>, vector<16xi32>], vector<16xf32>,
      %mul3A_510 = arith.mulf %gather3A_508, %gather3A_509 : vector<16xf32>
      %bitcast3A = vector.bitcast %mul3A_510 : vector<16xf32> to vector<16xi32>
      %add3A_511 = arith.constant 32768 : i32
      %add3A_512 = vector.broadcast %add3A_511 : i32 to vector<16xi32>
      %add3A_513 = arith.addi %bitcast3A, %add3A_512 : vector<16xi32>
      %and3A_514 = arith.constant -65536 : i32
      %and3A_515 = vector.broadcast %and3A_514 : i32 to vector<16xi32>
      %and3A_516 = arith.andi %add3A_513, %and3A_515 : vector<16xi32>
      %bitcast3A_517 = vector.bitcast %and3A_516 : vector<16xi32> to vector<16xf32>
      %mul3A_518 = arith.mulf %bitcast3A_517, %gather3A : vector<16xf32>
      %add3A_519 = arith.addf %scan3A_500, %mul3A_518 : vector<16xf32>
      %gather3A_520 = tpu.vector_load_idx %arg10[%add3A_54, %and3A_507] : memref<64x128xf32, #tpu.memory_space<vmem>>[vector<16xi32>, vector<16xi32>], vector<16xf32>,
      %gather3A_521 = tpu.vector_load_idx %arg14[%add3A_54, %and3A_507] : memref<64x128xf32, #tpu.memory_space<vmem>>[vector<16xi32>, vector<16xi32>], vector<16xf32>,
      %mul3A_522 = arith.mulf %gather3A_520, %gather3A_521 : vector<16xf32>
      %bitcast3A_523 = vector.bitcast %mul3A_522 : vector<16xf32> to vector<16xi32>
      %add3A_524 = arith.constant 32768 : i32
      %add3A_525 = vector.broadcast %add3A_524 : i32 to vector<16xi32>
      %add3A_526 = arith.addi %bitcast3A_523, %add3A_525 : vector<16xi32>
      %and3A_527 = arith.constant -65536 : i32
      %and3A_528 = vector.broadcast %and3A_527 : i32 to vector<16xi32>
      %and3A_529 = arith.andi %add3A_526, %and3A_528 : vector<16xi32>
      %bitcast3A_530 = vector.bitcast %and3A_529 : vector<16xi32> to vector<16xf32>
      %mul3A_531 = arith.mulf %bitcast3A_530, %gather3A : vector<16xf32>
      %add3A_532 = arith.addf %scan3A_501, %mul3A_531 : vector<16xf32>
      %gather3A_533 = tpu.vector_load_idx %arg10[%add3A_57, %and3A_507] : memref<64x128xf32, #tpu.memory_space<vmem>>[vector<16xi32>, vector<16xi32>], vector<16xf32>,
      %gather3A_534 = tpu.vector_load_idx %arg14[%add3A_57, %and3A_507] : memref<64x128xf32, #tpu.memory_space<vmem>>[vector<16xi32>, vector<16xi32>], vector<16xf32>,
      %mul3A_535 = arith.mulf %gather3A_533, %gather3A_534 : vector<16xf32>
      %bitcast3A_536 = vector.bitcast %mul3A_535 : vector<16xf32> to vector<16xi32>
      %add3A_537 = arith.constant 32768 : i32
      %add3A_538 = vector.broadcast %add3A_537 : i32 to vector<16xi32>
      %add3A_539 = arith.addi %bitcast3A_536, %add3A_538 : vector<16xi32>
      %and3A_540 = arith.constant -65536 : i32
      %and3A_541 = vector.broadcast %and3A_540 : i32 to vector<16xi32>
      %and3A_542 = arith.andi %add3A_539, %and3A_541 : vector<16xi32>
      %bitcast3A_543 = vector.bitcast %and3A_542 : vector<16xi32> to vector<16xf32>
      %mul3A_544 = arith.mulf %bitcast3A_543, %gather3A : vector<16xf32>
      %add3A_545 = arith.addf %scan3A_502, %mul3A_544 : vector<16xf32>
      %gather3A_546 = tpu.vector_load_idx %arg10[%add3A_60, %and3A_507] : memref<64x128xf32, #tpu.memory_space<vmem>>[vector<16xi32>, vector<16xi32>], vector<16xf32>,
      %gather3A_547 = tpu.vector_load_idx %arg14[%add3A_60, %and3A_507] : memref<64x128xf32, #tpu.memory_space<vmem>>[vector<16xi32>, vector<16xi32>], vector<16xf32>,
      %mul3A_548 = arith.mulf %gather3A_546, %gather3A_547 : vector<16xf32>
      %bitcast3A_549 = vector.bitcast %mul3A_548 : vector<16xf32> to vector<16xi32>
      %add3A_550 = arith.constant 32768 : i32
      %add3A_551 = vector.broadcast %add3A_550 : i32 to vector<16xi32>
      %add3A_552 = arith.addi %bitcast3A_549, %add3A_551 : vector<16xi32>
      %and3A_553 = arith.constant -65536 : i32
      %and3A_554 = vector.broadcast %and3A_553 : i32 to vector<16xi32>
      %and3A_555 = arith.andi %add3A_552, %and3A_554 : vector<16xi32>
      %bitcast3A_556 = vector.bitcast %and3A_555 : vector<16xi32> to vector<16xf32>
      %mul3A_557 = arith.mulf %bitcast3A_556, %gather3A : vector<16xf32>
      %add3A_558 = arith.addf %scan3A_503, %mul3A_557 : vector<16xf32>
      scf.yield %add3A_519, %add3A_532, %add3A_545, %add3A_558 : vector<16xf32>, vector<16xf32>, vector<16xf32>, vector<16xf32>
    }
    %scan3A_298 = arith.constant 128 : i32
    %add3A_299 = arith.addf %scan3A_297#0, %get3A_61 : vector<16xf32>
    %swap3A_300 = arith.constant 256 : index
    %swap3A_301 = tpu.vector_load %arg19[%swap3A_300] {strides = array<i32>} : memref<512xf32, #tpu.memory_space<vmem>>, vector<16xf32>,
    tpu.vector_store %arg19[%swap3A_300], %add3A_299 {strides = array<i32>} : memref<512xf32, #tpu.memory_space<vmem>>, vector<16xf32>,
    %add3A_302 = arith.addf %scan3A_297#1, %get3A_61 : vector<16xf32>
    %swap3A_303 = arith.constant 272 : index
    %swap3A_304 = tpu.vector_load %arg19[%swap3A_303] {strides = array<i32>} : memref<512xf32, #tpu.memory_space<vmem>>, vector<16xf32>,
    tpu.vector_store %arg19[%swap3A_303], %add3A_302 {strides = array<i32>} : memref<512xf32, #tpu.memory_space<vmem>>, vector<16xf32>,
    %add3A_305 = arith.addf %scan3A_297#2, %get3A_61 : vector<16xf32>
    %swap3A_306 = arith.constant 288 : index
    %swap3A_307 = tpu.vector_load %arg19[%swap3A_306] {strides = array<i32>} : memref<512xf32, #tpu.memory_space<vmem>>, vector<16xf32>,
    tpu.vector_store %arg19[%swap3A_306], %add3A_305 {strides = array<i32>} : memref<512xf32, #tpu.memory_space<vmem>>, vector<16xf32>,
    %add3A_308 = arith.addf %scan3A_297#3, %get3A_61 : vector<16xf32>
    %swap3A_309 = arith.constant 304 : index
    %swap3A_310 = tpu.vector_load %arg19[%swap3A_309] {strides = array<i32>} : memref<512xf32, #tpu.memory_space<vmem>>, vector<16xf32>,
    tpu.vector_store %arg19[%swap3A_309], %add3A_308 {strides = array<i32>} : memref<512xf32, #tpu.memory_space<vmem>>, vector<16xf32>,
    %add3A_311 = arith.constant 256 : i32
    %add3A_312 = arith.addi %mul3A_2, %add3A_311 : i32
    %dma_start3A_313 = arith.constant 256 : i32
    %dma_start3A_314 = tpu.memref_slice %arg19[%dma_start3A_313] : memref<512xf32, #tpu.memory_space<vmem>> -> memref<64xf32, #tpu.memory_space<vmem>>
    %dma_start3A_315 = tpu.memref_slice %arg7[%add3A_312] : memref<16384xf32, #tpu.memory_space<hbm>> -> memref<64xf32, #tpu.memory_space<hbm>>
    %dma_start3A_316 = tpu.memref_slice %arg7[%add3A_312] : memref<16384xf32, #tpu.memory_space<hbm>> -> memref<64xf32, #tpu.memory_space<hbm>>
    %dma_start3A_317 = arith.constant 256 : i32
    %dma_start3A_318 = tpu.memref_slice %arg19[%dma_start3A_317] : memref<512xf32, #tpu.memory_space<vmem>> -> memref<64xf32, #tpu.memory_space<vmem>>
    tpu.enqueue_dma source(%dma_start3A_318 : memref<64xf32, #tpu.memory_space<vmem>>) target(%dma_start3A_316 : memref<64xf32, #tpu.memory_space<hbm>>) target_semaphore(%arg22 : memref<!tpu.dma_semaphore, #tpu.memory_space<semaphore_mem>>)
    %dma_wait3A_319 = arith.constant 320 : i32
    %dma_wait3A_320 = tpu.memref_slice %arg8[%dma_wait3A_319] : memref<512xi32, #tpu.memory_space<vmem>> -> memref<64xi32, #tpu.memory_space<vmem>>
    %dma_wait3A_321 = arith.constant 0 : i32
    %dma_wait3A_322 = arith.constant 0 : i32
    %dma_wait3A_323 = tpu.memref_slice %arg4[%dma_wait3A_321, %dma_wait3A_322] : memref<100000x128xf32, #tpu.memory_space<hbm>> -> memref<100000x128xf32, #tpu.memory_space<hbm>>
    tpu.wait_indirect_dma semaphore(%arg20 : memref<!tpu.dma_semaphore, #tpu.memory_space<semaphore_mem>>) src(%dma_wait3A_323 : memref<100000x128xf32, #tpu.memory_space<hbm>>) dst(%arg11 : memref<64x128xf32, #tpu.memory_space<vmem>>)
    %dma_wait3A_324 = arith.constant 320 : i32
    %dma_wait3A_325 = tpu.memref_slice %arg9[%dma_wait3A_324] : memref<512xi32, #tpu.memory_space<vmem>> -> memref<64xi32, #tpu.memory_space<vmem>>
    %dma_wait3A_326 = arith.constant 0 : i32
    %dma_wait3A_327 = arith.constant 0 : i32
    %dma_wait3A_328 = tpu.memref_slice %arg5[%dma_wait3A_326, %dma_wait3A_327] : memref<1000000x128xf32, #tpu.memory_space<hbm>> -> memref<1000000x128xf32, #tpu.memory_space<hbm>>
    tpu.wait_indirect_dma semaphore(%arg21 : memref<!tpu.dma_semaphore, #tpu.memory_space<semaphore_mem>>) src(%dma_wait3A_328 : memref<1000000x128xf32, #tpu.memory_space<hbm>>) dst(%arg15 : memref<64x128xf32, #tpu.memory_space<vmem>>)
    %broadcast_in_dim3A_329 = arith.constant 0.000000e+00 : f32
    %broadcast_in_dim3A_330 = vector.broadcast %broadcast_in_dim3A_329 : f32 to vector<16xf32>
    %broadcast_in_dim3A_331 = arith.constant 0.000000e+00 : f32
    %broadcast_in_dim3A_332 = vector.broadcast %broadcast_in_dim3A_331 : f32 to vector<16xf32>
    %broadcast_in_dim3A_333 = arith.constant 0.000000e+00 : f32
    %broadcast_in_dim3A_334 = vector.broadcast %broadcast_in_dim3A_333 : f32 to vector<16xf32>
    %broadcast_in_dim3A_335 = arith.constant 0.000000e+00 : f32
    %broadcast_in_dim3A_336 = vector.broadcast %broadcast_in_dim3A_335 : f32 to vector<16xf32>
    %scan3A_337 = arith.constant 0 : i32
    %scan3A_338 = arith.constant 128 : i32
    %scan3A_339 = arith.addi %scan3A_337, %scan3A_338 : i32
    %scan3A_340 = arith.constant 1 : i32
    %scan3A_341:4 = scf.for %scan3A_499 = %scan3A_337 to %scan3A_339 step %scan3A_340 iter_args(%scan3A_500 = %broadcast_in_dim3A_330, %scan3A_501 = %broadcast_in_dim3A_332, %scan3A_502 = %broadcast_in_dim3A_334, %scan3A_503 = %broadcast_in_dim3A_336) -> (vector<16xf32>, vector<16xf32>, vector<16xf32>, vector<16xf32>)  : i32 {
      %add3A_504 = vector.broadcast %scan3A_499 : i32 to vector<16xi32>
      %add3A_505 = arith.addi %iota3A, %add3A_504 : vector<16xi32>
      %and3A = arith.constant 127 : i32
      %and3A_506 = vector.broadcast %and3A : i32 to vector<16xi32>
      %and3A_507 = arith.andi %add3A_505, %and3A_506 : vector<16xi32>
      %gather3A = tpu.vector_load_idx %arg18[%and3A_507] : memref<144xf32, #tpu.memory_space<vmem>>[vector<16xi32>], vector<16xf32>,
      %gather3A_508 = tpu.vector_load_idx %arg11[%add3A_51, %and3A_507] : memref<64x128xf32, #tpu.memory_space<vmem>>[vector<16xi32>, vector<16xi32>], vector<16xf32>,
      %gather3A_509 = tpu.vector_load_idx %arg15[%add3A_51, %and3A_507] : memref<64x128xf32, #tpu.memory_space<vmem>>[vector<16xi32>, vector<16xi32>], vector<16xf32>,
      %mul3A_510 = arith.mulf %gather3A_508, %gather3A_509 : vector<16xf32>
      %bitcast3A = vector.bitcast %mul3A_510 : vector<16xf32> to vector<16xi32>
      %add3A_511 = arith.constant 32768 : i32
      %add3A_512 = vector.broadcast %add3A_511 : i32 to vector<16xi32>
      %add3A_513 = arith.addi %bitcast3A, %add3A_512 : vector<16xi32>
      %and3A_514 = arith.constant -65536 : i32
      %and3A_515 = vector.broadcast %and3A_514 : i32 to vector<16xi32>
      %and3A_516 = arith.andi %add3A_513, %and3A_515 : vector<16xi32>
      %bitcast3A_517 = vector.bitcast %and3A_516 : vector<16xi32> to vector<16xf32>
      %mul3A_518 = arith.mulf %bitcast3A_517, %gather3A : vector<16xf32>
      %add3A_519 = arith.addf %scan3A_500, %mul3A_518 : vector<16xf32>
      %gather3A_520 = tpu.vector_load_idx %arg11[%add3A_54, %and3A_507] : memref<64x128xf32, #tpu.memory_space<vmem>>[vector<16xi32>, vector<16xi32>], vector<16xf32>,
      %gather3A_521 = tpu.vector_load_idx %arg15[%add3A_54, %and3A_507] : memref<64x128xf32, #tpu.memory_space<vmem>>[vector<16xi32>, vector<16xi32>], vector<16xf32>,
      %mul3A_522 = arith.mulf %gather3A_520, %gather3A_521 : vector<16xf32>
      %bitcast3A_523 = vector.bitcast %mul3A_522 : vector<16xf32> to vector<16xi32>
      %add3A_524 = arith.constant 32768 : i32
      %add3A_525 = vector.broadcast %add3A_524 : i32 to vector<16xi32>
      %add3A_526 = arith.addi %bitcast3A_523, %add3A_525 : vector<16xi32>
      %and3A_527 = arith.constant -65536 : i32
      %and3A_528 = vector.broadcast %and3A_527 : i32 to vector<16xi32>
      %and3A_529 = arith.andi %add3A_526, %and3A_528 : vector<16xi32>
      %bitcast3A_530 = vector.bitcast %and3A_529 : vector<16xi32> to vector<16xf32>
      %mul3A_531 = arith.mulf %bitcast3A_530, %gather3A : vector<16xf32>
      %add3A_532 = arith.addf %scan3A_501, %mul3A_531 : vector<16xf32>
      %gather3A_533 = tpu.vector_load_idx %arg11[%add3A_57, %and3A_507] : memref<64x128xf32, #tpu.memory_space<vmem>>[vector<16xi32>, vector<16xi32>], vector<16xf32>,
      %gather3A_534 = tpu.vector_load_idx %arg15[%add3A_57, %and3A_507] : memref<64x128xf32, #tpu.memory_space<vmem>>[vector<16xi32>, vector<16xi32>], vector<16xf32>,
      %mul3A_535 = arith.mulf %gather3A_533, %gather3A_534 : vector<16xf32>
      %bitcast3A_536 = vector.bitcast %mul3A_535 : vector<16xf32> to vector<16xi32>
      %add3A_537 = arith.constant 32768 : i32
      %add3A_538 = vector.broadcast %add3A_537 : i32 to vector<16xi32>
      %add3A_539 = arith.addi %bitcast3A_536, %add3A_538 : vector<16xi32>
      %and3A_540 = arith.constant -65536 : i32
      %and3A_541 = vector.broadcast %and3A_540 : i32 to vector<16xi32>
      %and3A_542 = arith.andi %add3A_539, %and3A_541 : vector<16xi32>
      %bitcast3A_543 = vector.bitcast %and3A_542 : vector<16xi32> to vector<16xf32>
      %mul3A_544 = arith.mulf %bitcast3A_543, %gather3A : vector<16xf32>
      %add3A_545 = arith.addf %scan3A_502, %mul3A_544 : vector<16xf32>
      %gather3A_546 = tpu.vector_load_idx %arg11[%add3A_60, %and3A_507] : memref<64x128xf32, #tpu.memory_space<vmem>>[vector<16xi32>, vector<16xi32>], vector<16xf32>,
      %gather3A_547 = tpu.vector_load_idx %arg15[%add3A_60, %and3A_507] : memref<64x128xf32, #tpu.memory_space<vmem>>[vector<16xi32>, vector<16xi32>], vector<16xf32>,
      %mul3A_548 = arith.mulf %gather3A_546, %gather3A_547 : vector<16xf32>
      %bitcast3A_549 = vector.bitcast %mul3A_548 : vector<16xf32> to vector<16xi32>
      %add3A_550 = arith.constant 32768 : i32
      %add3A_551 = vector.broadcast %add3A_550 : i32 to vector<16xi32>
      %add3A_552 = arith.addi %bitcast3A_549, %add3A_551 : vector<16xi32>
      %and3A_553 = arith.constant -65536 : i32
      %and3A_554 = vector.broadcast %and3A_553 : i32 to vector<16xi32>
      %and3A_555 = arith.andi %add3A_552, %and3A_554 : vector<16xi32>
      %bitcast3A_556 = vector.bitcast %and3A_555 : vector<16xi32> to vector<16xf32>
      %mul3A_557 = arith.mulf %bitcast3A_556, %gather3A : vector<16xf32>
      %add3A_558 = arith.addf %scan3A_503, %mul3A_557 : vector<16xf32>
      scf.yield %add3A_519, %add3A_532, %add3A_545, %add3A_558 : vector<16xf32>, vector<16xf32>, vector<16xf32>, vector<16xf32>
    }
    %scan3A_342 = arith.constant 128 : i32
    %add3A_343 = arith.addf %scan3A_341#0, %get3A_61 : vector<16xf32>
    %swap3A_344 = arith.constant 320 : index
    %swap3A_345 = tpu.vector_load %arg19[%swap3A_344] {strides = array<i32>} : memref<512xf32, #tpu.memory_space<vmem>>, vector<16xf32>,
    tpu.vector_store %arg19[%swap3A_344], %add3A_343 {strides = array<i32>} : memref<512xf32, #tpu.memory_space<vmem>>, vector<16xf32>,
    %add3A_346 = arith.addf %scan3A_341#1, %get3A_61 : vector<16xf32>
    %swap3A_347 = arith.constant 336 : index
    %swap3A_348 = tpu.vector_load %arg19[%swap3A_347] {strides = array<i32>} : memref<512xf32, #tpu.memory_space<vmem>>, vector<16xf32>,
    tpu.vector_store %arg19[%swap3A_347], %add3A_346 {strides = array<i32>} : memref<512xf32, #tpu.memory_space<vmem>>, vector<16xf32>,
    %add3A_349 = arith.addf %scan3A_341#2, %get3A_61 : vector<16xf32>
    %swap3A_350 = arith.constant 352 : index
    %swap3A_351 = tpu.vector_load %arg19[%swap3A_350] {strides = array<i32>} : memref<512xf32, #tpu.memory_space<vmem>>, vector<16xf32>,
    tpu.vector_store %arg19[%swap3A_350], %add3A_349 {strides = array<i32>} : memref<512xf32, #tpu.memory_space<vmem>>, vector<16xf32>,
    %add3A_352 = arith.addf %scan3A_341#3, %get3A_61 : vector<16xf32>
    %swap3A_353 = arith.constant 368 : index
    %swap3A_354 = tpu.vector_load %arg19[%swap3A_353] {strides = array<i32>} : memref<512xf32, #tpu.memory_space<vmem>>, vector<16xf32>,
    tpu.vector_store %arg19[%swap3A_353], %add3A_352 {strides = array<i32>} : memref<512xf32, #tpu.memory_space<vmem>>, vector<16xf32>,
    %add3A_355 = arith.constant 320 : i32
    %add3A_356 = arith.addi %mul3A_2, %add3A_355 : i32
    %dma_start3A_357 = arith.constant 320 : i32
    %dma_start3A_358 = tpu.memref_slice %arg19[%dma_start3A_357] : memref<512xf32, #tpu.memory_space<vmem>> -> memref<64xf32, #tpu.memory_space<vmem>>
    %dma_start3A_359 = tpu.memref_slice %arg7[%add3A_356] : memref<16384xf32, #tpu.memory_space<hbm>> -> memref<64xf32, #tpu.memory_space<hbm>>
    %dma_start3A_360 = tpu.memref_slice %arg7[%add3A_356] : memref<16384xf32, #tpu.memory_space<hbm>> -> memref<64xf32, #tpu.memory_space<hbm>>
    %dma_start3A_361 = arith.constant 320 : i32
    %dma_start3A_362 = tpu.memref_slice %arg19[%dma_start3A_361] : memref<512xf32, #tpu.memory_space<vmem>> -> memref<64xf32, #tpu.memory_space<vmem>>
    tpu.enqueue_dma source(%dma_start3A_362 : memref<64xf32, #tpu.memory_space<vmem>>) target(%dma_start3A_360 : memref<64xf32, #tpu.memory_space<hbm>>) target_semaphore(%arg22 : memref<!tpu.dma_semaphore, #tpu.memory_space<semaphore_mem>>)
    %dma_wait3A_363 = arith.constant 384 : i32
    %dma_wait3A_364 = tpu.memref_slice %arg8[%dma_wait3A_363] : memref<512xi32, #tpu.memory_space<vmem>> -> memref<64xi32, #tpu.memory_space<vmem>>
    %dma_wait3A_365 = arith.constant 0 : i32
    %dma_wait3A_366 = arith.constant 0 : i32
    %dma_wait3A_367 = tpu.memref_slice %arg4[%dma_wait3A_365, %dma_wait3A_366] : memref<100000x128xf32, #tpu.memory_space<hbm>> -> memref<100000x128xf32, #tpu.memory_space<hbm>>
    tpu.wait_indirect_dma semaphore(%arg20 : memref<!tpu.dma_semaphore, #tpu.memory_space<semaphore_mem>>) src(%dma_wait3A_367 : memref<100000x128xf32, #tpu.memory_space<hbm>>) dst(%arg12 : memref<64x128xf32, #tpu.memory_space<vmem>>)
    %dma_wait3A_368 = arith.constant 384 : i32
    %dma_wait3A_369 = tpu.memref_slice %arg9[%dma_wait3A_368] : memref<512xi32, #tpu.memory_space<vmem>> -> memref<64xi32, #tpu.memory_space<vmem>>
    %dma_wait3A_370 = arith.constant 0 : i32
    %dma_wait3A_371 = arith.constant 0 : i32
    %dma_wait3A_372 = tpu.memref_slice %arg5[%dma_wait3A_370, %dma_wait3A_371] : memref<1000000x128xf32, #tpu.memory_space<hbm>> -> memref<1000000x128xf32, #tpu.memory_space<hbm>>
    tpu.wait_indirect_dma semaphore(%arg21 : memref<!tpu.dma_semaphore, #tpu.memory_space<semaphore_mem>>) src(%dma_wait3A_372 : memref<1000000x128xf32, #tpu.memory_space<hbm>>) dst(%arg16 : memref<64x128xf32, #tpu.memory_space<vmem>>)
    %broadcast_in_dim3A_373 = arith.constant 0.000000e+00 : f32
    %broadcast_in_dim3A_374 = vector.broadcast %broadcast_in_dim3A_373 : f32 to vector<16xf32>
    %broadcast_in_dim3A_375 = arith.constant 0.000000e+00 : f32
    %broadcast_in_dim3A_376 = vector.broadcast %broadcast_in_dim3A_375 : f32 to vector<16xf32>
    %broadcast_in_dim3A_377 = arith.constant 0.000000e+00 : f32
    %broadcast_in_dim3A_378 = vector.broadcast %broadcast_in_dim3A_377 : f32 to vector<16xf32>
    %broadcast_in_dim3A_379 = arith.constant 0.000000e+00 : f32
    %broadcast_in_dim3A_380 = vector.broadcast %broadcast_in_dim3A_379 : f32 to vector<16xf32>
    %scan3A_381 = arith.constant 0 : i32
    %scan3A_382 = arith.constant 128 : i32
    %scan3A_383 = arith.addi %scan3A_381, %scan3A_382 : i32
    %scan3A_384 = arith.constant 1 : i32
    %scan3A_385:4 = scf.for %scan3A_499 = %scan3A_381 to %scan3A_383 step %scan3A_384 iter_args(%scan3A_500 = %broadcast_in_dim3A_374, %scan3A_501 = %broadcast_in_dim3A_376, %scan3A_502 = %broadcast_in_dim3A_378, %scan3A_503 = %broadcast_in_dim3A_380) -> (vector<16xf32>, vector<16xf32>, vector<16xf32>, vector<16xf32>)  : i32 {
      %add3A_504 = vector.broadcast %scan3A_499 : i32 to vector<16xi32>
      %add3A_505 = arith.addi %iota3A, %add3A_504 : vector<16xi32>
      %and3A = arith.constant 127 : i32
      %and3A_506 = vector.broadcast %and3A : i32 to vector<16xi32>
      %and3A_507 = arith.andi %add3A_505, %and3A_506 : vector<16xi32>
      %gather3A = tpu.vector_load_idx %arg18[%and3A_507] : memref<144xf32, #tpu.memory_space<vmem>>[vector<16xi32>], vector<16xf32>,
      %gather3A_508 = tpu.vector_load_idx %arg12[%add3A_51, %and3A_507] : memref<64x128xf32, #tpu.memory_space<vmem>>[vector<16xi32>, vector<16xi32>], vector<16xf32>,
      %gather3A_509 = tpu.vector_load_idx %arg16[%add3A_51, %and3A_507] : memref<64x128xf32, #tpu.memory_space<vmem>>[vector<16xi32>, vector<16xi32>], vector<16xf32>,
      %mul3A_510 = arith.mulf %gather3A_508, %gather3A_509 : vector<16xf32>
      %bitcast3A = vector.bitcast %mul3A_510 : vector<16xf32> to vector<16xi32>
      %add3A_511 = arith.constant 32768 : i32
      %add3A_512 = vector.broadcast %add3A_511 : i32 to vector<16xi32>
      %add3A_513 = arith.addi %bitcast3A, %add3A_512 : vector<16xi32>
      %and3A_514 = arith.constant -65536 : i32
      %and3A_515 = vector.broadcast %and3A_514 : i32 to vector<16xi32>
      %and3A_516 = arith.andi %add3A_513, %and3A_515 : vector<16xi32>
      %bitcast3A_517 = vector.bitcast %and3A_516 : vector<16xi32> to vector<16xf32>
      %mul3A_518 = arith.mulf %bitcast3A_517, %gather3A : vector<16xf32>
      %add3A_519 = arith.addf %scan3A_500, %mul3A_518 : vector<16xf32>
      %gather3A_520 = tpu.vector_load_idx %arg12[%add3A_54, %and3A_507] : memref<64x128xf32, #tpu.memory_space<vmem>>[vector<16xi32>, vector<16xi32>], vector<16xf32>,
      %gather3A_521 = tpu.vector_load_idx %arg16[%add3A_54, %and3A_507] : memref<64x128xf32, #tpu.memory_space<vmem>>[vector<16xi32>, vector<16xi32>], vector<16xf32>,
      %mul3A_522 = arith.mulf %gather3A_520, %gather3A_521 : vector<16xf32>
      %bitcast3A_523 = vector.bitcast %mul3A_522 : vector<16xf32> to vector<16xi32>
      %add3A_524 = arith.constant 32768 : i32
      %add3A_525 = vector.broadcast %add3A_524 : i32 to vector<16xi32>
      %add3A_526 = arith.addi %bitcast3A_523, %add3A_525 : vector<16xi32>
      %and3A_527 = arith.constant -65536 : i32
      %and3A_528 = vector.broadcast %and3A_527 : i32 to vector<16xi32>
      %and3A_529 = arith.andi %add3A_526, %and3A_528 : vector<16xi32>
      %bitcast3A_530 = vector.bitcast %and3A_529 : vector<16xi32> to vector<16xf32>
      %mul3A_531 = arith.mulf %bitcast3A_530, %gather3A : vector<16xf32>
      %add3A_532 = arith.addf %scan3A_501, %mul3A_531 : vector<16xf32>
      %gather3A_533 = tpu.vector_load_idx %arg12[%add3A_57, %and3A_507] : memref<64x128xf32, #tpu.memory_space<vmem>>[vector<16xi32>, vector<16xi32>], vector<16xf32>,
      %gather3A_534 = tpu.vector_load_idx %arg16[%add3A_57, %and3A_507] : memref<64x128xf32, #tpu.memory_space<vmem>>[vector<16xi32>, vector<16xi32>], vector<16xf32>,
      %mul3A_535 = arith.mulf %gather3A_533, %gather3A_534 : vector<16xf32>
      %bitcast3A_536 = vector.bitcast %mul3A_535 : vector<16xf32> to vector<16xi32>
      %add3A_537 = arith.constant 32768 : i32
      %add3A_538 = vector.broadcast %add3A_537 : i32 to vector<16xi32>
      %add3A_539 = arith.addi %bitcast3A_536, %add3A_538 : vector<16xi32>
      %and3A_540 = arith.constant -65536 : i32
      %and3A_541 = vector.broadcast %and3A_540 : i32 to vector<16xi32>
      %and3A_542 = arith.andi %add3A_539, %and3A_541 : vector<16xi32>
      %bitcast3A_543 = vector.bitcast %and3A_542 : vector<16xi32> to vector<16xf32>
      %mul3A_544 = arith.mulf %bitcast3A_543, %gather3A : vector<16xf32>
      %add3A_545 = arith.addf %scan3A_502, %mul3A_544 : vector<16xf32>
      %gather3A_546 = tpu.vector_load_idx %arg12[%add3A_60, %and3A_507] : memref<64x128xf32, #tpu.memory_space<vmem>>[vector<16xi32>, vector<16xi32>], vector<16xf32>,
      %gather3A_547 = tpu.vector_load_idx %arg16[%add3A_60, %and3A_507] : memref<64x128xf32, #tpu.memory_space<vmem>>[vector<16xi32>, vector<16xi32>], vector<16xf32>,
      %mul3A_548 = arith.mulf %gather3A_546, %gather3A_547 : vector<16xf32>
      %bitcast3A_549 = vector.bitcast %mul3A_548 : vector<16xf32> to vector<16xi32>
      %add3A_550 = arith.constant 32768 : i32
      %add3A_551 = vector.broadcast %add3A_550 : i32 to vector<16xi32>
      %add3A_552 = arith.addi %bitcast3A_549, %add3A_551 : vector<16xi32>
      %and3A_553 = arith.constant -65536 : i32
      %and3A_554 = vector.broadcast %and3A_553 : i32 to vector<16xi32>
      %and3A_555 = arith.andi %add3A_552, %and3A_554 : vector<16xi32>
      %bitcast3A_556 = vector.bitcast %and3A_555 : vector<16xi32> to vector<16xf32>
      %mul3A_557 = arith.mulf %bitcast3A_556, %gather3A : vector<16xf32>
      %add3A_558 = arith.addf %scan3A_503, %mul3A_557 : vector<16xf32>
      scf.yield %add3A_519, %add3A_532, %add3A_545, %add3A_558 : vector<16xf32>, vector<16xf32>, vector<16xf32>, vector<16xf32>
    }
    %scan3A_386 = arith.constant 128 : i32
    %add3A_387 = arith.addf %scan3A_385#0, %get3A_61 : vector<16xf32>
    %swap3A_388 = arith.constant 384 : index
    %swap3A_389 = tpu.vector_load %arg19[%swap3A_388] {strides = array<i32>} : memref<512xf32, #tpu.memory_space<vmem>>, vector<16xf32>,
    tpu.vector_store %arg19[%swap3A_388], %add3A_387 {strides = array<i32>} : memref<512xf32, #tpu.memory_space<vmem>>, vector<16xf32>,
    %add3A_390 = arith.addf %scan3A_385#1, %get3A_61 : vector<16xf32>
    %swap3A_391 = arith.constant 400 : index
    %swap3A_392 = tpu.vector_load %arg19[%swap3A_391] {strides = array<i32>} : memref<512xf32, #tpu.memory_space<vmem>>, vector<16xf32>,
    tpu.vector_store %arg19[%swap3A_391], %add3A_390 {strides = array<i32>} : memref<512xf32, #tpu.memory_space<vmem>>, vector<16xf32>,
    %add3A_393 = arith.addf %scan3A_385#2, %get3A_61 : vector<16xf32>
    %swap3A_394 = arith.constant 416 : index
    %swap3A_395 = tpu.vector_load %arg19[%swap3A_394] {strides = array<i32>} : memref<512xf32, #tpu.memory_space<vmem>>, vector<16xf32>,
    tpu.vector_store %arg19[%swap3A_394], %add3A_393 {strides = array<i32>} : memref<512xf32, #tpu.memory_space<vmem>>, vector<16xf32>,
    %add3A_396 = arith.addf %scan3A_385#3, %get3A_61 : vector<16xf32>
    %swap3A_397 = arith.constant 432 : index
    %swap3A_398 = tpu.vector_load %arg19[%swap3A_397] {strides = array<i32>} : memref<512xf32, #tpu.memory_space<vmem>>, vector<16xf32>,
    tpu.vector_store %arg19[%swap3A_397], %add3A_396 {strides = array<i32>} : memref<512xf32, #tpu.memory_space<vmem>>, vector<16xf32>,
    %add3A_399 = arith.constant 384 : i32
    %add3A_400 = arith.addi %mul3A_2, %add3A_399 : i32
    %dma_start3A_401 = arith.constant 384 : i32
    %dma_start3A_402 = tpu.memref_slice %arg19[%dma_start3A_401] : memref<512xf32, #tpu.memory_space<vmem>> -> memref<64xf32, #tpu.memory_space<vmem>>
    %dma_start3A_403 = tpu.memref_slice %arg7[%add3A_400] : memref<16384xf32, #tpu.memory_space<hbm>> -> memref<64xf32, #tpu.memory_space<hbm>>
    %dma_start3A_404 = tpu.memref_slice %arg7[%add3A_400] : memref<16384xf32, #tpu.memory_space<hbm>> -> memref<64xf32, #tpu.memory_space<hbm>>
    %dma_start3A_405 = arith.constant 384 : i32
    %dma_start3A_406 = tpu.memref_slice %arg19[%dma_start3A_405] : memref<512xf32, #tpu.memory_space<vmem>> -> memref<64xf32, #tpu.memory_space<vmem>>
    tpu.enqueue_dma source(%dma_start3A_406 : memref<64xf32, #tpu.memory_space<vmem>>) target(%dma_start3A_404 : memref<64xf32, #tpu.memory_space<hbm>>) target_semaphore(%arg22 : memref<!tpu.dma_semaphore, #tpu.memory_space<semaphore_mem>>)
    %dma_wait3A_407 = arith.constant 448 : i32
    %dma_wait3A_408 = tpu.memref_slice %arg8[%dma_wait3A_407] : memref<512xi32, #tpu.memory_space<vmem>> -> memref<64xi32, #tpu.memory_space<vmem>>
    %dma_wait3A_409 = arith.constant 0 : i32
    %dma_wait3A_410 = arith.constant 0 : i32
    %dma_wait3A_411 = tpu.memref_slice %arg4[%dma_wait3A_409, %dma_wait3A_410] : memref<100000x128xf32, #tpu.memory_space<hbm>> -> memref<100000x128xf32, #tpu.memory_space<hbm>>
    tpu.wait_indirect_dma semaphore(%arg20 : memref<!tpu.dma_semaphore, #tpu.memory_space<semaphore_mem>>) src(%dma_wait3A_411 : memref<100000x128xf32, #tpu.memory_space<hbm>>) dst(%arg13 : memref<64x128xf32, #tpu.memory_space<vmem>>)
    %dma_wait3A_412 = arith.constant 448 : i32
    %dma_wait3A_413 = tpu.memref_slice %arg9[%dma_wait3A_412] : memref<512xi32, #tpu.memory_space<vmem>> -> memref<64xi32, #tpu.memory_space<vmem>>
    %dma_wait3A_414 = arith.constant 0 : i32
    %dma_wait3A_415 = arith.constant 0 : i32
    %dma_wait3A_416 = tpu.memref_slice %arg5[%dma_wait3A_414, %dma_wait3A_415] : memref<1000000x128xf32, #tpu.memory_space<hbm>> -> memref<1000000x128xf32, #tpu.memory_space<hbm>>
    tpu.wait_indirect_dma semaphore(%arg21 : memref<!tpu.dma_semaphore, #tpu.memory_space<semaphore_mem>>) src(%dma_wait3A_416 : memref<1000000x128xf32, #tpu.memory_space<hbm>>) dst(%arg17 : memref<64x128xf32, #tpu.memory_space<vmem>>)
    %broadcast_in_dim3A_417 = arith.constant 0.000000e+00 : f32
    %broadcast_in_dim3A_418 = vector.broadcast %broadcast_in_dim3A_417 : f32 to vector<16xf32>
    %broadcast_in_dim3A_419 = arith.constant 0.000000e+00 : f32
    %broadcast_in_dim3A_420 = vector.broadcast %broadcast_in_dim3A_419 : f32 to vector<16xf32>
    %broadcast_in_dim3A_421 = arith.constant 0.000000e+00 : f32
    %broadcast_in_dim3A_422 = vector.broadcast %broadcast_in_dim3A_421 : f32 to vector<16xf32>
    %broadcast_in_dim3A_423 = arith.constant 0.000000e+00 : f32
    %broadcast_in_dim3A_424 = vector.broadcast %broadcast_in_dim3A_423 : f32 to vector<16xf32>
    %scan3A_425 = arith.constant 0 : i32
    %scan3A_426 = arith.constant 128 : i32
    %scan3A_427 = arith.addi %scan3A_425, %scan3A_426 : i32
    %scan3A_428 = arith.constant 1 : i32
    %scan3A_429:4 = scf.for %scan3A_499 = %scan3A_425 to %scan3A_427 step %scan3A_428 iter_args(%scan3A_500 = %broadcast_in_dim3A_418, %scan3A_501 = %broadcast_in_dim3A_420, %scan3A_502 = %broadcast_in_dim3A_422, %scan3A_503 = %broadcast_in_dim3A_424) -> (vector<16xf32>, vector<16xf32>, vector<16xf32>, vector<16xf32>)  : i32 {
      %add3A_504 = vector.broadcast %scan3A_499 : i32 to vector<16xi32>
      %add3A_505 = arith.addi %iota3A, %add3A_504 : vector<16xi32>
      %and3A = arith.constant 127 : i32
      %and3A_506 = vector.broadcast %and3A : i32 to vector<16xi32>
      %and3A_507 = arith.andi %add3A_505, %and3A_506 : vector<16xi32>
      %gather3A = tpu.vector_load_idx %arg18[%and3A_507] : memref<144xf32, #tpu.memory_space<vmem>>[vector<16xi32>], vector<16xf32>,
      %gather3A_508 = tpu.vector_load_idx %arg13[%add3A_51, %and3A_507] : memref<64x128xf32, #tpu.memory_space<vmem>>[vector<16xi32>, vector<16xi32>], vector<16xf32>,
      %gather3A_509 = tpu.vector_load_idx %arg17[%add3A_51, %and3A_507] : memref<64x128xf32, #tpu.memory_space<vmem>>[vector<16xi32>, vector<16xi32>], vector<16xf32>,
      %mul3A_510 = arith.mulf %gather3A_508, %gather3A_509 : vector<16xf32>
      %bitcast3A = vector.bitcast %mul3A_510 : vector<16xf32> to vector<16xi32>
      %add3A_511 = arith.constant 32768 : i32
      %add3A_512 = vector.broadcast %add3A_511 : i32 to vector<16xi32>
      %add3A_513 = arith.addi %bitcast3A, %add3A_512 : vector<16xi32>
      %and3A_514 = arith.constant -65536 : i32
      %and3A_515 = vector.broadcast %and3A_514 : i32 to vector<16xi32>
      %and3A_516 = arith.andi %add3A_513, %and3A_515 : vector<16xi32>
      %bitcast3A_517 = vector.bitcast %and3A_516 : vector<16xi32> to vector<16xf32>
      %mul3A_518 = arith.mulf %bitcast3A_517, %gather3A : vector<16xf32>
      %add3A_519 = arith.addf %scan3A_500, %mul3A_518 : vector<16xf32>
      %gather3A_520 = tpu.vector_load_idx %arg13[%add3A_54, %and3A_507] : memref<64x128xf32, #tpu.memory_space<vmem>>[vector<16xi32>, vector<16xi32>], vector<16xf32>,
      %gather3A_521 = tpu.vector_load_idx %arg17[%add3A_54, %and3A_507] : memref<64x128xf32, #tpu.memory_space<vmem>>[vector<16xi32>, vector<16xi32>], vector<16xf32>,
      %mul3A_522 = arith.mulf %gather3A_520, %gather3A_521 : vector<16xf32>
      %bitcast3A_523 = vector.bitcast %mul3A_522 : vector<16xf32> to vector<16xi32>
      %add3A_524 = arith.constant 32768 : i32
      %add3A_525 = vector.broadcast %add3A_524 : i32 to vector<16xi32>
      %add3A_526 = arith.addi %bitcast3A_523, %add3A_525 : vector<16xi32>
      %and3A_527 = arith.constant -65536 : i32
      %and3A_528 = vector.broadcast %and3A_527 : i32 to vector<16xi32>
      %and3A_529 = arith.andi %add3A_526, %and3A_528 : vector<16xi32>
      %bitcast3A_530 = vector.bitcast %and3A_529 : vector<16xi32> to vector<16xf32>
      %mul3A_531 = arith.mulf %bitcast3A_530, %gather3A : vector<16xf32>
      %add3A_532 = arith.addf %scan3A_501, %mul3A_531 : vector<16xf32>
      %gather3A_533 = tpu.vector_load_idx %arg13[%add3A_57, %and3A_507] : memref<64x128xf32, #tpu.memory_space<vmem>>[vector<16xi32>, vector<16xi32>], vector<16xf32>,
      %gather3A_534 = tpu.vector_load_idx %arg17[%add3A_57, %and3A_507] : memref<64x128xf32, #tpu.memory_space<vmem>>[vector<16xi32>, vector<16xi32>], vector<16xf32>,
      %mul3A_535 = arith.mulf %gather3A_533, %gather3A_534 : vector<16xf32>
      %bitcast3A_536 = vector.bitcast %mul3A_535 : vector<16xf32> to vector<16xi32>
      %add3A_537 = arith.constant 32768 : i32
      %add3A_538 = vector.broadcast %add3A_537 : i32 to vector<16xi32>
      %add3A_539 = arith.addi %bitcast3A_536, %add3A_538 : vector<16xi32>
      %and3A_540 = arith.constant -65536 : i32
      %and3A_541 = vector.broadcast %and3A_540 : i32 to vector<16xi32>
      %and3A_542 = arith.andi %add3A_539, %and3A_541 : vector<16xi32>
      %bitcast3A_543 = vector.bitcast %and3A_542 : vector<16xi32> to vector<16xf32>
      %mul3A_544 = arith.mulf %bitcast3A_543, %gather3A : vector<16xf32>
      %add3A_545 = arith.addf %scan3A_502, %mul3A_544 : vector<16xf32>
      %gather3A_546 = tpu.vector_load_idx %arg13[%add3A_60, %and3A_507] : memref<64x128xf32, #tpu.memory_space<vmem>>[vector<16xi32>, vector<16xi32>], vector<16xf32>,
      %gather3A_547 = tpu.vector_load_idx %arg17[%add3A_60, %and3A_507] : memref<64x128xf32, #tpu.memory_space<vmem>>[vector<16xi32>, vector<16xi32>], vector<16xf32>,
      %mul3A_548 = arith.mulf %gather3A_546, %gather3A_547 : vector<16xf32>
      %bitcast3A_549 = vector.bitcast %mul3A_548 : vector<16xf32> to vector<16xi32>
      %add3A_550 = arith.constant 32768 : i32
      %add3A_551 = vector.broadcast %add3A_550 : i32 to vector<16xi32>
      %add3A_552 = arith.addi %bitcast3A_549, %add3A_551 : vector<16xi32>
      %and3A_553 = arith.constant -65536 : i32
      %and3A_554 = vector.broadcast %and3A_553 : i32 to vector<16xi32>
      %and3A_555 = arith.andi %add3A_552, %and3A_554 : vector<16xi32>
      %bitcast3A_556 = vector.bitcast %and3A_555 : vector<16xi32> to vector<16xf32>
      %mul3A_557 = arith.mulf %bitcast3A_556, %gather3A : vector<16xf32>
      %add3A_558 = arith.addf %scan3A_503, %mul3A_557 : vector<16xf32>
      scf.yield %add3A_519, %add3A_532, %add3A_545, %add3A_558 : vector<16xf32>, vector<16xf32>, vector<16xf32>, vector<16xf32>
    }
    %scan3A_430 = arith.constant 128 : i32
    %add3A_431 = arith.addf %scan3A_429#0, %get3A_61 : vector<16xf32>
    %swap3A_432 = arith.constant 448 : index
    %swap3A_433 = tpu.vector_load %arg19[%swap3A_432] {strides = array<i32>} : memref<512xf32, #tpu.memory_space<vmem>>, vector<16xf32>,
    tpu.vector_store %arg19[%swap3A_432], %add3A_431 {strides = array<i32>} : memref<512xf32, #tpu.memory_space<vmem>>, vector<16xf32>,
    %add3A_434 = arith.addf %scan3A_429#1, %get3A_61 : vector<16xf32>
    %swap3A_435 = arith.constant 464 : index
    %swap3A_436 = tpu.vector_load %arg19[%swap3A_435] {strides = array<i32>} : memref<512xf32, #tpu.memory_space<vmem>>, vector<16xf32>,
    tpu.vector_store %arg19[%swap3A_435], %add3A_434 {strides = array<i32>} : memref<512xf32, #tpu.memory_space<vmem>>, vector<16xf32>,
    %add3A_437 = arith.addf %scan3A_429#2, %get3A_61 : vector<16xf32>
    %swap3A_438 = arith.constant 480 : index
    %swap3A_439 = tpu.vector_load %arg19[%swap3A_438] {strides = array<i32>} : memref<512xf32, #tpu.memory_space<vmem>>, vector<16xf32>,
    tpu.vector_store %arg19[%swap3A_438], %add3A_437 {strides = array<i32>} : memref<512xf32, #tpu.memory_space<vmem>>, vector<16xf32>,
    %add3A_440 = arith.addf %scan3A_429#3, %get3A_61 : vector<16xf32>
    %swap3A_441 = arith.constant 496 : index
    %swap3A_442 = tpu.vector_load %arg19[%swap3A_441] {strides = array<i32>} : memref<512xf32, #tpu.memory_space<vmem>>, vector<16xf32>,
    tpu.vector_store %arg19[%swap3A_441], %add3A_440 {strides = array<i32>} : memref<512xf32, #tpu.memory_space<vmem>>, vector<16xf32>,
    %add3A_443 = arith.constant 448 : i32
    %add3A_444 = arith.addi %mul3A_2, %add3A_443 : i32
    %dma_start3A_445 = arith.constant 448 : i32
    %dma_start3A_446 = tpu.memref_slice %arg19[%dma_start3A_445] : memref<512xf32, #tpu.memory_space<vmem>> -> memref<64xf32, #tpu.memory_space<vmem>>
    %dma_start3A_447 = tpu.memref_slice %arg7[%add3A_444] : memref<16384xf32, #tpu.memory_space<hbm>> -> memref<64xf32, #tpu.memory_space<hbm>>
    %dma_start3A_448 = tpu.memref_slice %arg7[%add3A_444] : memref<16384xf32, #tpu.memory_space<hbm>> -> memref<64xf32, #tpu.memory_space<hbm>>
    %dma_start3A_449 = arith.constant 448 : i32
    %dma_start3A_450 = tpu.memref_slice %arg19[%dma_start3A_449] : memref<512xf32, #tpu.memory_space<vmem>> -> memref<64xf32, #tpu.memory_space<vmem>>
    tpu.enqueue_dma source(%dma_start3A_450 : memref<64xf32, #tpu.memory_space<vmem>>) target(%dma_start3A_448 : memref<64xf32, #tpu.memory_space<hbm>>) target_semaphore(%arg22 : memref<!tpu.dma_semaphore, #tpu.memory_space<semaphore_mem>>)
    %dma_wait3A_451 = arith.constant 0 : i32
    %dma_wait3A_452 = tpu.memref_slice %arg19[%dma_wait3A_451] : memref<512xf32, #tpu.memory_space<vmem>> -> memref<64xf32, #tpu.memory_space<vmem>>
    %dma_wait3A_453 = tpu.memref_slice %arg7[%add3A_96] : memref<16384xf32, #tpu.memory_space<hbm>> -> memref<64xf32, #tpu.memory_space<hbm>>
    %dma_wait3A_454 = tpu.memref_slice %arg7[%add3A_96] : memref<16384xf32, #tpu.memory_space<hbm>> -> memref<64xf32, #tpu.memory_space<hbm>>
    %dma_wait3A_455 = arith.constant 0 : i32
    %dma_wait3A_456 = tpu.memref_slice %arg19[%dma_wait3A_455] : memref<512xf32, #tpu.memory_space<vmem>> -> memref<64xf32, #tpu.memory_space<vmem>>
    tpu.wait_dma2 semaphore(%arg22 : memref<!tpu.dma_semaphore, #tpu.memory_space<semaphore_mem>>) src(%dma_wait3A_456 : memref<64xf32, #tpu.memory_space<vmem>>) dst(%dma_wait3A_454 : memref<64xf32, #tpu.memory_space<hbm>>)
    %dma_wait3A_457 = arith.constant 64 : i32
    %dma_wait3A_458 = tpu.memref_slice %arg19[%dma_wait3A_457] : memref<512xf32, #tpu.memory_space<vmem>> -> memref<64xf32, #tpu.memory_space<vmem>>
    %dma_wait3A_459 = tpu.memref_slice %arg7[%add3A_150] : memref<16384xf32, #tpu.memory_space<hbm>> -> memref<64xf32, #tpu.memory_space<hbm>>
    %dma_wait3A_460 = tpu.memref_slice %arg7[%add3A_150] : memref<16384xf32, #tpu.memory_space<hbm>> -> memref<64xf32, #tpu.memory_space<hbm>>
    %dma_wait3A_461 = arith.constant 64 : i32
    %dma_wait3A_462 = tpu.memref_slice %arg19[%dma_wait3A_461] : memref<512xf32, #tpu.memory_space<vmem>> -> memref<64xf32, #tpu.memory_space<vmem>>
    tpu.wait_dma2 semaphore(%arg22 : memref<!tpu.dma_semaphore, #tpu.memory_space<semaphore_mem>>) src(%dma_wait3A_462 : memref<64xf32, #tpu.memory_space<vmem>>) dst(%dma_wait3A_460 : memref<64xf32, #tpu.memory_space<hbm>>)
    %dma_wait3A_463 = arith.constant 128 : i32
    %dma_wait3A_464 = tpu.memref_slice %arg19[%dma_wait3A_463] : memref<512xf32, #tpu.memory_space<vmem>> -> memref<64xf32, #tpu.memory_space<vmem>>
    %dma_wait3A_465 = tpu.memref_slice %arg7[%add3A_204] : memref<16384xf32, #tpu.memory_space<hbm>> -> memref<64xf32, #tpu.memory_space<hbm>>
    %dma_wait3A_466 = tpu.memref_slice %arg7[%add3A_204] : memref<16384xf32, #tpu.memory_space<hbm>> -> memref<64xf32, #tpu.memory_space<hbm>>
    %dma_wait3A_467 = arith.constant 128 : i32
    %dma_wait3A_468 = tpu.memref_slice %arg19[%dma_wait3A_467] : memref<512xf32, #tpu.memory_space<vmem>> -> memref<64xf32, #tpu.memory_space<vmem>>
    tpu.wait_dma2 semaphore(%arg22 : memref<!tpu.dma_semaphore, #tpu.memory_space<semaphore_mem>>) src(%dma_wait3A_468 : memref<64xf32, #tpu.memory_space<vmem>>) dst(%dma_wait3A_466 : memref<64xf32, #tpu.memory_space<hbm>>)
    %dma_wait3A_469 = arith.constant 192 : i32
    %dma_wait3A_470 = tpu.memref_slice %arg19[%dma_wait3A_469] : memref<512xf32, #tpu.memory_space<vmem>> -> memref<64xf32, #tpu.memory_space<vmem>>
    %dma_wait3A_471 = tpu.memref_slice %arg7[%add3A_258] : memref<16384xf32, #tpu.memory_space<hbm>> -> memref<64xf32, #tpu.memory_space<hbm>>
    %dma_wait3A_472 = tpu.memref_slice %arg7[%add3A_258] : memref<16384xf32, #tpu.memory_space<hbm>> -> memref<64xf32, #tpu.memory_space<hbm>>
    %dma_wait3A_473 = arith.constant 192 : i32
    %dma_wait3A_474 = tpu.memref_slice %arg19[%dma_wait3A_473] : memref<512xf32, #tpu.memory_space<vmem>> -> memref<64xf32, #tpu.memory_space<vmem>>
    tpu.wait_dma2 semaphore(%arg22 : memref<!tpu.dma_semaphore, #tpu.memory_space<semaphore_mem>>) src(%dma_wait3A_474 : memref<64xf32, #tpu.memory_space<vmem>>) dst(%dma_wait3A_472 : memref<64xf32, #tpu.memory_space<hbm>>)
    %dma_wait3A_475 = arith.constant 256 : i32
    %dma_wait3A_476 = tpu.memref_slice %arg19[%dma_wait3A_475] : memref<512xf32, #tpu.memory_space<vmem>> -> memref<64xf32, #tpu.memory_space<vmem>>
    %dma_wait3A_477 = tpu.memref_slice %arg7[%add3A_312] : memref<16384xf32, #tpu.memory_space<hbm>> -> memref<64xf32, #tpu.memory_space<hbm>>
    %dma_wait3A_478 = tpu.memref_slice %arg7[%add3A_312] : memref<16384xf32, #tpu.memory_space<hbm>> -> memref<64xf32, #tpu.memory_space<hbm>>
    %dma_wait3A_479 = arith.constant 256 : i32
    %dma_wait3A_480 = tpu.memref_slice %arg19[%dma_wait3A_479] : memref<512xf32, #tpu.memory_space<vmem>> -> memref<64xf32, #tpu.memory_space<vmem>>
    tpu.wait_dma2 semaphore(%arg22 : memref<!tpu.dma_semaphore, #tpu.memory_space<semaphore_mem>>) src(%dma_wait3A_480 : memref<64xf32, #tpu.memory_space<vmem>>) dst(%dma_wait3A_478 : memref<64xf32, #tpu.memory_space<hbm>>)
    %dma_wait3A_481 = arith.constant 320 : i32
    %dma_wait3A_482 = tpu.memref_slice %arg19[%dma_wait3A_481] : memref<512xf32, #tpu.memory_space<vmem>> -> memref<64xf32, #tpu.memory_space<vmem>>
    %dma_wait3A_483 = tpu.memref_slice %arg7[%add3A_356] : memref<16384xf32, #tpu.memory_space<hbm>> -> memref<64xf32, #tpu.memory_space<hbm>>
    %dma_wait3A_484 = tpu.memref_slice %arg7[%add3A_356] : memref<16384xf32, #tpu.memory_space<hbm>> -> memref<64xf32, #tpu.memory_space<hbm>>
    %dma_wait3A_485 = arith.constant 320 : i32
    %dma_wait3A_486 = tpu.memref_slice %arg19[%dma_wait3A_485] : memref<512xf32, #tpu.memory_space<vmem>> -> memref<64xf32, #tpu.memory_space<vmem>>
    tpu.wait_dma2 semaphore(%arg22 : memref<!tpu.dma_semaphore, #tpu.memory_space<semaphore_mem>>) src(%dma_wait3A_486 : memref<64xf32, #tpu.memory_space<vmem>>) dst(%dma_wait3A_484 : memref<64xf32, #tpu.memory_space<hbm>>)
    %dma_wait3A_487 = arith.constant 384 : i32
    %dma_wait3A_488 = tpu.memref_slice %arg19[%dma_wait3A_487] : memref<512xf32, #tpu.memory_space<vmem>> -> memref<64xf32, #tpu.memory_space<vmem>>
    %dma_wait3A_489 = tpu.memref_slice %arg7[%add3A_400] : memref<16384xf32, #tpu.memory_space<hbm>> -> memref<64xf32, #tpu.memory_space<hbm>>
    %dma_wait3A_490 = tpu.memref_slice %arg7[%add3A_400] : memref<16384xf32, #tpu.memory_space<hbm>> -> memref<64xf32, #tpu.memory_space<hbm>>
    %dma_wait3A_491 = arith.constant 384 : i32
    %dma_wait3A_492 = tpu.memref_slice %arg19[%dma_wait3A_491] : memref<512xf32, #tpu.memory_space<vmem>> -> memref<64xf32, #tpu.memory_space<vmem>>
    tpu.wait_dma2 semaphore(%arg22 : memref<!tpu.dma_semaphore, #tpu.memory_space<semaphore_mem>>) src(%dma_wait3A_492 : memref<64xf32, #tpu.memory_space<vmem>>) dst(%dma_wait3A_490 : memref<64xf32, #tpu.memory_space<hbm>>)
    %dma_wait3A_493 = arith.constant 448 : i32
    %dma_wait3A_494 = tpu.memref_slice %arg19[%dma_wait3A_493] : memref<512xf32, #tpu.memory_space<vmem>> -> memref<64xf32, #tpu.memory_space<vmem>>
    %dma_wait3A_495 = tpu.memref_slice %arg7[%add3A_444] : memref<16384xf32, #tpu.memory_space<hbm>> -> memref<64xf32, #tpu.memory_space<hbm>>
    %dma_wait3A_496 = tpu.memref_slice %arg7[%add3A_444] : memref<16384xf32, #tpu.memory_space<hbm>> -> memref<64xf32, #tpu.memory_space<hbm>>
    %dma_wait3A_497 = arith.constant 448 : i32
    %dma_wait3A_498 = tpu.memref_slice %arg19[%dma_wait3A_497] : memref<512xf32, #tpu.memory_space<vmem>> -> memref<64xf32, #tpu.memory_space<vmem>>
    tpu.wait_dma2 semaphore(%arg22 : memref<!tpu.dma_semaphore, #tpu.memory_space<semaphore_mem>>) src(%dma_wait3A_498 : memref<64xf32, #tpu.memory_space<vmem>>) dst(%dma_wait3A_496 : memref<64xf32, #tpu.memory_space<hbm>>)
    return
  }
}

</mosaic_0001>

<sc_bundles>
// kernel: kernel.3.cloned.1.call-start
scs
__scs_entry_jumppad:
0x0: {  	(pc) =	sbr.rel $0x88, $3  }
0x1: {  	(tag) =	ssettag $0x0;
	lr =	simm.s32 $0x1  }
0x2: {  	[smem:$0x3F9B] =	sst lr;
	_ =	strace $0xD0000000  }
0x3: {  	_ = 	snop  }
0x4: {  	_ = 	snop  }
0x5: {  	_ = 	snop  }
0x6: {  	_ = 	snop  }
0x7: {  	_ = 	snop  }
__scs_overlays_trampoline_lowered:
0x8: {  	[smem:$0x3FAA] =	sst s0  }
0x9: {  	[smem:$0x3FAB] =	sst s1  }
0xa: {  	[smem:$0x3FAC] =	sst s2  }
0xb: {  	[smem:$0x3FAD] =	sst s3  }
0xc: {  	[smem:$0x3FAE] =	sst s4  }
0xd: {  	[smem:$0x3FAF] =	sst s5  }
0xe: {  	[smem:$0x3FB0] =	sst s6  }
0xf: {  	[smem:$0x3FB1] =	sst s7  }
0x10: {  	[smem:$0x3FB2] =	sst s8  }
0x11: {  	[smem:$0x3FB3] =	sst s9;
	s0 =	simm.s32 @!p0 $0x0  }
0x12: {  	s1 =	sld [smem:$0x3F99];
	s0 =	simm.s32 @p0 $0x1  }
0x13: {  	[smem:$0x3FB4] =	sst s0;
	s0 =	simm.s32 @!p1 $0x0  }
0x14: {  	s2 =	sld [smem:$0x3F98];
	s0 =	simm.s32 @p1 $0x1  }
0x15: {  	[smem:$0x3FB5] =	sst s0;
	s0 =	simm.s32 @!p2 $0x0  }
0x16: {  	s3 =	sld [smem:$0x3FDB];
	s0 =	simm.s32 @p2 $0x1  }
0x17: {  	s4 =	simm.s32 $0x1BF5;
	[smem:$0x3FB7] =	sst s0  }
0x18: {  	s0 =	sld [smem:$0x3F9A];
	_ =	swait.ge [sflag:s4], $0x0  }
0x19: {  	s7 =	sld [smem:$0x3F9B]  }
0x1a: {  	s8 =	sadd.s32 $0xFFFFE003, lr  }
0x1b: {  	s9 =	sadd.s32 $0xFFFFFEF7, lr;
	s5 =	simm.s32 $0xFFFFFFFF;
	p2 =	slt.u32 s8, $0xFFFFF086  }
0x1c: {  	p1 =	slt.u32 s9, $0xF7A;
	s5 =	simm.s32 @!p2 $0x0  }
0x1d: {  	s5 =	simm.s32 @p1 $0x1;
	p0 =	seq.s32 s7, s2  }
0x1e: {  	s7 =	smul.u32 @!p0 $0xF7A, s2;
	p2 =	seq.s32 @!p0 s5, $0x0  }
0x1f: {  	s9 =	smul.u32 $0xF7A, s1;
	s8 =	simm.s32 @!p0 $0x1BF5;
	p2 =	por !p2, p0  }
0x20: {  	[sflag:s8] =	ssyncset.s32 @!p0 $0xFFFFF086;
	s6 =	sadd.s32 @!p0 s3, s7;
	s7 =	simm.s32 @!p0 $0x108  }
0x21: {  	s3 =	sadd.s32 s3, s9;
	s6 =	sadd.s32 @!p0 $0x88, s6;
	s7 =	simm.s32 @p2 $0x1082  }
0x22: {  	[simem:s7], [sflag:s8] =	dma.local @!p0 [hbm:s6], $0xF7A  }
0x23: {  	s9 =	sor.u32 $0xD0000000, s2;
	s6 =	simm.s32 $0x108;
	_ =	swait.ge @!p0 [sflag:s8], $0x0  }
0x24: {  	s3 =	sadd.s32 $0x88, s3;
	s6 =	simm.s32 @!p1 $0x1082;
	[sflag:s4] =	ssyncset.s32 $0xFFFFF086  }
0x25: {  	[simem:s6], [sflag:s4] =	dma.local [hbm:s3], $0xF7A  }
0x26: {  	[smem:$0x3F9B] =	sst s1;
	(tag) =	ssettag s2;
	_ =	strace s9  }
0x27: {  	s1 =	sld [smem:$0x3FAB]  }
0x28: {  	s2 =	sld [smem:$0x3FAC]  }
0x29: {  	s4 =	sld [smem:$0x3FAE]  }
0x2a: {  	p0 =	seq.s32 s5, $0x0;
	s5 =	sld [smem:$0x3FAF]  }
0x2b: {  	s6 =	sld [smem:$0x3FB0]  }
0x2c: {  	s7 =	sld [smem:$0x3FB1]  }
0x2d: {  	s3 =	simm.s32 $0x108;
	s8 =	sld [smem:$0x3FB2]  }
0x2e: {  	s3 =	simm.s32 @!p0 $0x1082;
	s9 =	sld [smem:$0x3FB3]  }
0x2f: {  	lr =	sadd.s32 s0, s3;
	s0 =	sld [smem:$0x3FAA]  }
0x30: {  	s3 =	sld [smem:$0x3FAD]  }
0x31: {  	[smem:$0x3FB6] =	sst s10  }
0x32: {  	s10 =	sld [smem:$0x3FB4];
	_ =	sdelay $0x3  }
0x33: {  	p0 =	seq.s32 s10, $0x1;
	s10 =	sld [smem:$0x3FB6];
	_ =	sdelay $0x3  }
0x34: {  	[smem:$0x3FB6] =	sst s10  }
0x35: {  	s10 =	sld [smem:$0x3FB5];
	_ =	sdelay $0x3  }
0x36: {  	p1 =	seq.s32 s10, $0x1;
	s10 =	sld [smem:$0x3FB6];
	_ =	sdelay $0x3  }
0x37: {  	[smem:$0x3FB6] =	sst s10  }
0x38: {  	s10 =	sld [smem:$0x3FB7]  }
0x39: {  	_ = 	snop;
	(pc) =	sbr.ind lr, $3  }
0x3a: {  	_ = 	snop  }
0x3b: {  	_ = 	snop  }
0x3c: {  	p2 =	seq.s32 s10, $0x1;
	s10 =	sld [smem:$0x3FB6]  }
0x3d: {  	_ =	shalt  }
0x3e: {  	_ =	shalt  }
0x3f: {  	_ =	shalt  }
0x40: {  	_ =	shalt  }
0x41: {  	_ =	shalt  }
0x42: {  	_ =	shalt  }
0x43: {  	_ =	shalt  }
0x44: {  	_ =	shalt  }
0x45: {  	_ =	shalt  }
0x46: {  	_ =	shalt  }
0x47: {  	_ =	shalt  }
0x48: {  	_ =	shalt  }
0x49: {  	_ =	shalt  }
0x4a: {  	_ =	shalt  }
0x4b: {  	_ =	shalt  }
0x4c: {  	_ =	shalt  }
0x4d: {  	_ =	shalt  }
0x4e: {  	_ =	shalt  }
0x4f: {  	_ =	shalt  }
0x50: {  	_ =	shalt  }
0x51: {  	_ =	shalt  }
0x52: {  	_ =	shalt  }
0x53: {  	_ =	shalt  }
0x54: {  	_ =	shalt  }
0x55: {  	_ =	shalt  }
0x56: {  	_ =	shalt  }
0x57: {  	_ =	shalt  }
0x58: {  	_ =	shalt  }
0x59: {  	_ =	shalt  }
0x5a: {  	_ =	shalt  }
0x5b: {  	_ =	shalt  }
0x5c: {  	_ =	shalt  }
0x5d: {  	_ =	shalt  }
0x5e: {  	_ =	shalt  }
0x5f: {  	_ =	shalt  }
0x60: {  	_ =	shalt  }
0x61: {  	_ =	shalt  }
0x62: {  	_ =	shalt  }
0x63: {  	_ =	shalt  }
0x64: {  	_ =	shalt  }
0x65: {  	_ =	shalt  }
0x66: {  	_ =	shalt  }
0x67: {  	_ =	shalt  }
0x68: {  	_ =	shalt  }
0x69: {  	_ =	shalt  }
0x6a: {  	_ =	shalt  }
0x6b: {  	_ =	shalt  }
0x6c: {  	_ =	shalt  }
0x6d: {  	_ =	shalt  }
0x6e: {  	_ =	shalt  }
0x6f: {  	_ =	shalt  }
0x70: {  	_ =	shalt  }
0x71: {  	_ =	shalt  }
0x72: {  	_ =	shalt  }
0x73: {  	_ =	shalt  }
0x74: {  	_ =	shalt  }
0x75: {  	_ =	shalt  }
0x76: {  	_ =	shalt  }
0x77: {  	_ =	shalt  }
0x78: {  	_ =	shalt  }
0x79: {  	_ =	shalt  }
0x7a: {  	_ =	shalt  }
0x7b: {  	_ =	shalt  }
0x7c: {  	_ =	shalt  }
0x7d: {  	_ =	shalt  }
0x7e: {  	_ =	shalt  }
0x7f: {  	_ =	shalt  }
0x80: {  	_ =	shalt  }
0x81: {  	_ =	shalt  }
0x82: {  	_ =	shalt  }
0x83: {  	_ =	shalt  }
0x84: {  	_ =	shalt  }
0x85: {  	_ =	shalt  }
0x86: {  	_ =	shalt  }
0x87: {  	_ =	shalt  }
.Lfunc_end0:
.L_simem_size_0:
called_computation_lowered:
.L_overlay_start_0:
0x88: {  	s2 =	sld [smem:$0x3FD9]  }
0x89: {  	s3 =	sld [smem:$0x3FFE];
	_ =	sdelay $0x1  }
0x8a: {  	s1 =	srdreg.scid  }
0x8b: {  	s0 =	sand.u32 $0x1, s1  }
0x8c: {  	s17 =	sshll.u32 s0, $0xA;
	s2 =	sadd.s32 s3, s2  }
0x8d: {  	s2 =	sadd.s32 s2, s17  }
0x8e: {  	[smem:$0x3FC2] =	sst s2  }
0x8f: {  	_ = 	snop  }
0x90: {  	s2 =	sld [smem:$0x3FC9]  }
0x91: {  	s18 =	sld [smem:$0x3FC8]  }
0x92: {  	s4 =	sld [smem:$0x3FC7]  }
0x93: {  	s5 =	sld [smem:$0x3FC6]  }
0x94: {  	s6 =	sld [smem:$0x3FD0];
	(tm) =	ssettm $0x1  }
0x95: {  	s7 =	sld [smem:$0x3FFB];
	_ =	sdelay $0x3  }
0x96: {  	_ =	strace s7  }
0x97: {  	s7 =	sld [smem:$0x3FFC];
	_ =	sdelay $0x3  }
0x98: {  	_ =	strace s7  }
0x99: {  	s7 =	sld [smem:$0x3FFD];
	_ =	sdelay $0x3  }
0x9a: {  	_ =	strace s7  }
0x9b: {  	_ =	strace $0x8FFFFFFF  }
0x9c: {  	s19 =	sld [smem:$0x3FDB];
	_ =	sdelay $0x1  }
0x9d: {  	s8 =	simm.s32 $_scs_section_size  }
0x9e: {  	s9 =	simm.s32 $_size__tile_overlayer_lowered;
	s10 =	simm.s32 $_tile_overlayer_lowered  }
0x9f: {  	s22 =	simm.s32 $0x1BFF;
	s21 =	sshll.u32 s10, $0x1;
	s7 =	sadd.s32 s8, s19  }
0xa0: {  	s11 =	simm.s32 $0x0;
	s20 =	sshll.u32 s9, $0x1;
	s9 =	sadd.s32 s21, s7  }
0xa1: {  	[timem:s11], [sflag:s22] =	dma.local [hbm:s9], s20  }
0xa2: {  	_ =	swait.ge [sflag:s22], s20  }
0xa3: {  	s8 =	ssub.s32 $0x0, s20;
	[sflag:s22] =	ssyncset.done $0x0  }
0xa4: {  	[sflag:s22] =	ssyncadd.s32 s8;
	_ =	sdelay $0x1  }
0xa5: {  	s23 =	simm.s32 $0x1B8B  }
0xa6: {  	_ =	swait.ge [sflag:s23], $0x1  }
0xa7: {  	[sflag:s23] =	ssyncset.done $0x0  }
0xa8: {  	s25 =	simm.s32 $0x1B8E;
	s24 =	sld [smem:$0x3FFE];
	[sflag:s23] =	ssyncadd.s32 $0xFFFFFFFF  }
0xa9: {  	s26 =	simm.s32 $execute0_lowered;
	[smem:$0x3FD2] =	sst s25  }
0xaa: {  	s9 =	sshll.u32 s26, $0x1;
	_ =	strace $0x80000046;
	[dreg:$0x1] =	wrdreg $0xFFFFFFFF  }
0xab: {  	s28 =	simm.s32 $_size_execute0_lowered;
	s7 =	sadd.s32 s7, s9;
	[dreg:$0x0] =	wrdreg $0x0  }
0xac: {  	s9 =	sshll.u32 s28, $0x1;
	[dreg:$0x2] =	wrdreg s7  }
0xad: {  	[dreg:$0x3] =	wrdreg s9  }
0xae: {  	[dreg:$0x4] =	wrdreg $0xC0  }
0xaf: {  	_ =	task [dreg:s11], $0x5FFFF  }
0xb0: {  	[dreg:$0x1] =	wrdreg $0xFFFFFFFF  }
0xb1: {  	[dreg:$0x0] =	wrdreg $0x60  }
0xb2: {  	[dreg:$0x2] =	wrdreg s2  }
0xb3: {  	[dreg:$0x3] =	wrdreg s18  }
0xb4: {  	[dreg:$0x4] =	wrdreg s4  }
0xb5: {  	[dreg:$0x5] =	wrdreg s5  }
0xb6: {  	[dreg:$0x6] =	wrdreg s24  }
0xb7: {  	[dreg:$0x7] =	wrdreg s6  }
0xb8: {  	[dreg:$0x8] =	wrdreg $0x9  }
0xb9: {  	_ =	task.clear_ibuf [dreg:s11], $0x9FFFF;
	_ =	strace $0x90000046  }
0xba: {  	s29 =	simm.s32 $0x9;
	_ =	strace $0x80000048  }
0xbb: {  	_ =	swait.ge [sflag:s29], $0x1  }
0xbc: {  	[sflag:s29] =	ssyncadd.s32 $0xFFFFFFFF  }
0xbd: {  	_ =	strace $0x90000048  }
0xbe: {  	_ =	sfence  }
0xbf: {  	s30 =	sld [smem:$0x0];
	_ =	sdelay $0x2  }
0xc0: {  	s31 =	sshll.u32 s1, $0xD;
	s1 =	sshrl.u32 s1, $0x2  }
0xc1: {  	s3 =	sand.u32 $0x4000, s31;
	s1 =	sadd.s32 s1, s30  }
0xc2: {  	s0 =	sor.u32 s3, s0;
	s1 =	sshll.u32 s1, $0x11  }
0xc3: {  	s0 =	sor.u32 s1, s0  }
0xc4: {  	s0 =	sadd.s32 $0x8F2B, s0  }
0xc5: {  	[sflag:s0] =	ssyncadd.remote.s32 $0x1  }
0xc6: {  	_ =	sfence.sel $0xFFFF  }
0xc7: {  	[dreg:$0x0] =	wrdreg $0xFFFFFFFF;
	(pc) =	sbr.abs _section_cstart, $3  }
0xc8: {  	[dreg:$0x1] =	wrdreg $0xFFFFFFFF  }
0xc9: {  	_ =	task.clear_ibuf [dreg:s11], $0x2FFFF;
	_ =	strace $0x9FFFFFFF  }
0xca: {  	(tm) =	ssettm $0x7FFFFFFF  }
0xcb: {  	_ =	shalt  }
tec
execute0_lowered:
.L_overlay_start_1:
0x0: {  	(tag) =	ssettag $0x1  }
0x1: {  	s0 =	rddreg [dreg:$0x0]  }
0x2: {  	s3 =	rddreg [dreg:$0x1]  }
0x3: {  	s1 =	rddreg [dreg:$0x2]  }
0x4: {  	s2 =	rddreg [dreg:$0x3]  }
0x5: {  	s5 =	rddreg [dreg:$0x4]  }
0x6: {  	s7 =	rddreg [dreg:$0x5];
	s4 =	simm.s32 $0x0;
	s6 =	srdreg.scid  }
0x7: {  	s9 =	stileid.u32;
	s18 =	simm.s32 $0x10400;
	s19 =	simm.s32 $0x1  }
0x8: {  	s20 =	simm.s32 $0x2;
	s21 =	simm.s32 $0x40;
	s22 =	simm.s32 $0x400  }
0x9: {  	s23 =	simm.s32 $0x8400;
	s24 =	simm.s32 $0x2400;
	s26 =	simm.s32 $0xA400  }
0xa: {  	s29 =	simm.s32 $0x4400;
	s31 =	simm.s32 $0xC400;
	s28 =	simm.s32 $0xE400  }
0xb: {  	s25 =	simm.s32 $0x0;
	[smem:$0x7FF] =	sst s4;
	s6 =	sand.u32 $0x1, s6  }
0xc: {  	s9 =	sshll.u32 s9, $0x7;
	s8 =	ssub.s32 $0x2, s6;
	s6 =	sshll.u32 s6, $0x6  }
0xd: {  	s5 =	sadd.s32 $0x400, s5;
	s10 =	sshrl.u32 s8, $0x1;
	s9 =	sor.u32 s6, s9  }
0xe: {  	_ =	strace $0x80000047;
	s16 =	ssub.s32 s8, s10;
	s6 =	sadd.s32 s0, s9  }
0xf: {  	v0 =	vlaneseq.u32;
	s7 =	sadd.s32 s7, s9;
	s8 =	sadd.s32 s3, s9;
	s3 =	simm.s32 $0x6400  }
0x10: {  	v1 =	vmul.u32 $0x80, v0;
	s0 =	simm.s32 $0x3;
	s9 =	sadd.s32 $0x8, s7;
	s10 =	sadd.s32 $0x10, s7  }
0x11: {  	s11 =	sadd.s32 $0x18, s7;
	s12 =	sadd.s32 $0x20, s7;
	s13 =	sadd.s32 $0x28, s7  }
0x12: {  	v2 =	vor.u32 $0x800, v1;
	v3 =	vor.u32 $0x1000, v1;
	v4 =	vor.u32 $0x1800, v1;
	s14 =	sadd.s32 $0x30, s7;
	s15 =	sadd.s32 $0x38, s7;
	s16 =	smax.u32 s16, $0x1  }
.LBB2_1:
0x13: {  	[tilespmem:s4], [sflag:$0x1] =	stream.linear.gather [hbm4b:s6+s4], $0x200, $0x38;
	[tilespmem:$0x10700] =	vst v63  }
0x14: {  	s17 =	simm.s32 $0x200  }
0x15: {  	[tilespmem:s17], [sflag:$0x2] =	stream.linear.gather [hbm4b:s8+s4], $0x200, $0x38;
	[tilespmem:$0x10700] =	vst v63  }
0x16: {  	_ = 	snop  }
0x17: {  	[tilespmem:s18], [sflag:$0x1] =	stream.linear.gather [hbm4b:s5+s4], $0x100, $0x38;
	[tilespmem:$0x10700] =	vst v63  }
0x18: {  	_ =	swait.ge [sflag:s19], $0x200  }
0x19: {  	[sflag:s19] =	ssyncset.done $0x0  }
0x1a: {  	[sflag:s19] =	ssyncadd.s32 $0xFFFFFE00  }
0x1b: {  	_ =	swait.ge [sflag:s20], $0x200  }
0x1c: {  	[sflag:s20] =	ssyncset.done $0x0  }
0x1d: {  	[sflag:s20] =	ssyncadd.s32 $0xFFFFFE00  }
0x1e: {  	_ =	swait.ge [sflag:s19], $0x100  }
0x1f: {  	[sflag:s19] =	ssyncset.done $0x0  }
0x20: {  	[sflag:s19] =	ssyncadd.s32 $0xFFFFFF00  }
0x21: {  	[tilespmem:s22], [sflag:$0x1] =	stream.indirect.gather [hbm4b:s1+s21], $0x80, s4, s21, $0xb8;
	[tilespmem:$0x10700] =	vst v63  }
0x22: {  	_ = 	snop  }
0x23: {  	[tilespmem:s23], [sflag:$0x2] =	stream.indirect.gather [hbm4b:s2+s21], $0x80, s17, s21, $0xb8;
	[tilespmem:$0x10700] =	vst v63  }
0x24: {  	_ = 	snop  }
0x25: {  	[tilespmem:s24], [sflag:$0x1] =	stream.indirect.gather [hbm4b:s1+s21], $0x80, s21, s21, $0xb8;
	[tilespmem:$0x10700] =	vst v63  }
0x26: {  	s30 =	simm.s32 $0x240  }
0x27: {  	[tilespmem:s26], [sflag:$0x2] =	stream.indirect.gather [hbm4b:s2+s21], $0x80, s30, s21, $0xb8;
	[tilespmem:$0x10700] =	vst v63  }
0x28: {  	s30 =	simm.s32 $0x80  }
0x29: {  	[tilespmem:s29], [sflag:$0x1] =	stream.indirect.gather [hbm4b:s1+s21], $0x80, s30, s21, $0xb8;
	[tilespmem:$0x10700] =	vst v63  }
0x2a: {  	s30 =	simm.s32 $0x280  }
0x2b: {  	[tilespmem:s31], [sflag:$0x2] =	stream.indirect.gather [hbm4b:s2+s21], $0x80, s30, s21, $0xb8;
	[tilespmem:$0x10700] =	vst v63  }
0x2c: {  	s30 =	simm.s32 $0xC0  }
0x2d: {  	[tilespmem:s3], [sflag:$0x1] =	stream.indirect.gather [hbm4b:s1+s21], $0x80, s30, s21, $0xb8;
	[tilespmem:$0x10700] =	vst v63  }
0x2e: {  	s30 =	simm.s32 $0x2C0  }
0x2f: {  	v6 =	vadd.s32 s4, v0;
	[tilespmem:s28], [sflag:$0x2] =	stream.indirect.gather [hbm4b:s2+s21], $0x80, s30, s21, $0xb8;
	[tilespmem:$0x10700] =	vst v63  }
0x30: {  	v6 =	vand.u32 $0x7F, v6;
	v5 =	vld [tilespmem:$0x10480];
	_ =	swait.ge [sflag:s19], $0x2000  }
0x31: {  	v7 =	vor.u32 v4, v6;
	[sflag:s19] =	ssyncset.done $0x0  }
0x32: {  	[sflag:s19] =	ssyncadd.s32 $0xFFFFE000  }
0x33: {  	v8 =	vor.u32 v1, v6;
	_ =	swait.ge [sflag:s20], $0x2000  }
0x34: {  	[sflag:s20] =	ssyncset.done $0x0  }
0x35: {  	v9 =	vor.u32 v2, v6;
	[sflag:s20] =	ssyncadd.s32 $0xFFFFE000  }
0x36: {  	s30 =	simm.s32 $0x1;
	v10 =	vld.idx.msk [tilespmem:v7+s22+$0x0], $0xffff  }
0x37: {  	v12 =	vadd.s32 s30, v0;
	v7 =	vld.idx.msk [tilespmem:v7+s23+$0x0], $0xffff  }
0x38: {  	v11 =	vor.u32 v3, v6;
	v14 =	vand.u32 $0x7F, v12;
	v13 =	vld.idx.msk [tilespmem:v8+s22+$0x0], $0xffff  }
0x39: {  	v12 =	vor.u32 v4, v14;
	v8 =	vld.idx.msk [tilespmem:v8+s23+$0x0], $0xffff  }
0x3a: {  	v15 =	vld.idx.msk [tilespmem:v9+s22+$0x0], $0xffff  }
0x3b: {  	v17 =	vor.u32 v1, v14;
	v16 =	vld.idx.msk [tilespmem:v6+s18+$0x0], $0xffff  }
0x3c: {  	v9 =	vld.idx.msk [tilespmem:v9+s23+$0x0], $0xffff  }
0x3d: {  	v18 =	vld.idx.msk [tilespmem:v11+s22+$0x0], $0xffff  }
0x3e: {  	v19 =	vor.u32 v2, v14;
	v20 =	vld.idx.msk [tilespmem:v12+s22+$0x0], $0xffff  }
0x3f: {  	v21 =	vld.idx.msk [tilespmem:v12+s23+$0x0], $0xffff  }
0x40: {  	v23 =	vld.idx.msk [tilespmem:v17+s22+$0x0], $0xffff  }
0x41: {  	v24 =	vld.idx.msk [tilespmem:v17+s23+$0x0], $0xffff;
	v7 =	vmul.f32 v7, v10  }
0x42: {  	s30 =	simm.s32 $0x2;
	v22 =	vor.u32 v3, v14;
	v6 =	vimm.f32 $0.0e+00;
	v10 =	vld.idx.msk [tilespmem:v11+s23+$0x0], $0xffff;
	v8 =	vmul.f32 v8, v13  }
0x43: {  	v25 =	vld.idx.msk [tilespmem:v19+s22+$0x0], $0xffff;
	v11 =	vadd.s32 s30, v0;
	v13 =	vmul.f32 v9, v15;
	v7 =	vadd.s32 $0x8000, v7  }
0x44: {  	v27 =	vld.idx.msk [tilespmem:v19+s23+$0x0], $0xffff;
	v12 =	vand.u32 $0x7F, v11;
	v19 =	vmul.f32 v21, v20;
	v7 =	vand.u32 $0xFFFF0000, v7  }
0x45: {  	v8 =	vadd.s32 $0x8000, v8;
	v15 =	vor.u32 v4, v12;
	v7 =	vmul.f32 v7, v16  }
0x46: {  	v26 =	vor.u32 v1, v12;
	v11 =	vor.u32 v2, v12;
	v17 =	vadd.s32 $0x8000, v13  }
0x47: {  	v8 =	vand.u32 $0xFFFF0000, v8;
	v10 =	vmul.f32 v10, v18;
	v9 =	vadd.f32 v7, v6;
	v7 =	vld.idx.msk [tilespmem:v14+s18+$0x0], $0xffff  }
0x48: {  	v13 =	vor.u32 v3, v12;
	v17 =	vand.u32 $0xFFFF0000, v17;
	v8 =	vmul.f32 v8, v16;
	v18 =	vld.idx.msk [tilespmem:v22+s23+$0x0], $0xffff  }
0x49: {  	v20 =	vmul.f32 v17, v16;
	v14 =	vld.idx.msk [tilespmem:v22+s22+$0x0], $0xffff;
	v22 =	vmul.f32 v24, v23;
	v10 =	vadd.s32 $0x8000, v10  }
0x4a: {  	v8 =	vadd.f32 v8, v6;
	v23 =	vadd.s32 $0x8000, v19;
	v17 =	vld.idx.msk [tilespmem:v15+s22+$0x0], $0xffff;
	v10 =	vand.u32 $0xFFFF0000, v10  }
0x4b: {  	s30 =	simm.s32 $0x3;
	v19 =	vld.idx.msk [tilespmem:v15+s23+$0x0], $0xffff;
	v15 =	vand.u32 $0xFFFF0000, v23;
	v22 =	vadd.s32 $0x8000, v22;
	v21 =	vmul.f32 v10, v16  }
0x4c: {  	v10 =	vadd.f32 v20, v6;
	v20 =	vadd.s32 s30, v0;
	v16 =	vld.idx.msk [tilespmem:v26+s22+$0x0], $0xffff;
	v24 =	vmul.f32 v15, v7  }
0x4d: {  	v23 =	vmul.f32 v27, v25;
	s30 =	simm.s32 $0x4;
	v22 =	vand.u32 $0xFFFF0000, v22;
	v15 =	vand.u32 $0x7F, v20;
	v20 =	vld.idx.msk [tilespmem:v26+s23+$0x0], $0xffff  }
.LBB2_2:
0x4e: {  	p0 =	sne.s32 s30, $0x7F;
	v25 =	vor.u32 v1, v15;
	v26 =	vor.u32 v4, v15;
	v27 =	vld.idx.msk [tilespmem:v11+s22+$0x0], $0xffff;
	v9 =	vadd.f32 v24, v9  }
0x4f: {  	v24 =	vor.u32 v2, v15;
	v28 =	vor.u32 v3, v15;
	v31 =	vmul.f32 v18, v14;
	v29 =	vld.idx.msk [tilespmem:v12+s18+$0x0], $0xffff  }
0x50: {  	v22 =	vmul.f32 v22, v7;
	v6 =	vadd.f32 v21, v6;
	v18 =	vadd.s32 $0x8000, v23;
	v30 =	vld.idx.msk [tilespmem:v11+s23+$0x0], $0xffff;
	v11 =	vmovc v24  }
0x51: {  	v12 =	vmovc v15;
	v19 =	vmul.f32 v19, v17;
	v17 =	vand.u32 $0xFFFF0000, v18;
	v21 =	vadd.s32 $0x8000, v31;
	v14 =	vld.idx.msk [tilespmem:v13+s22+$0x0], $0xffff  }
.Ltmp0:
0x52: {  	v8 =	vadd.f32 v22, v8;
	v15 =	vmul.f32 v17, v7;
	v21 =	vand.u32 $0xFFFF0000, v21;
	v18 =	vld.idx.msk [tilespmem:v13+s23+$0x0], $0xffff;
	v13 =	vmovc v28;
	(pc) =	sbr.rel @p0 .LBB2_2-.Ltmp0, $4  }
0x53: {  	v20 =	vmul.f32 v20, v16;
	v16 =	vadd.s32 $0x8000, v19;
	v21 =	vmul.f32 v21, v7;
	v17 =	vld.idx.msk [tilespmem:v26+s22+$0x0], $0xffff  }
0x54: {  	v23 =	vand.u32 $0xFFFF0000, v16;
	v10 =	vadd.f32 v15, v10;
	v19 =	vld.idx.msk [tilespmem:v26+s23+$0x0], $0xffff  }
0x55: {  	v15 =	vadd.s32 s30, v0;
	v22 =	vadd.s32 $0x8000, v20;
	v24 =	vmul.f32 v23, v29;
	v7 =	vmovc v29;
	v16 =	vld.idx.msk [tilespmem:v25+s22+$0x0], $0xffff  }
0x56: {  	s30 =	sadd.s32 $0x1, s30;
	v15 =	vand.u32 $0x7F, v15;
	v22 =	vand.u32 $0xFFFF0000, v22;
	v23 =	vmul.f32 v30, v27;
	v20 =	vld.idx.msk [tilespmem:v25+s23+$0x0], $0xffff  }
0x57: {  	_ =	sdelay $0x3  }
0x58: {  	v25 =	vor.u32 v4, v15;
	v26 =	vld.idx.msk [tilespmem:v11+s22+$0x0], $0xffff  }
0x59: {  	v12 =	vld.idx.msk [tilespmem:v12+s18+$0x0], $0xffff  }
0x5a: {  	v27 =	vor.u32 v1, v15;
	v11 =	vld.idx.msk [tilespmem:v11+s23+$0x0], $0xffff  }
0x5b: {  	v28 =	vld.idx.msk [tilespmem:v13+s22+$0x0], $0xffff  }
0x5c: {  	v29 =	vor.u32 v2, v15;
	v13 =	vld.idx.msk [tilespmem:v13+s23+$0x0], $0xffff  }
0x5d: {  	v9 =	vadd.f32 v24, v9;
	v14 =	vmul.f32 v18, v14;
	v24 =	vld.idx.msk [tilespmem:v25+s22+$0x0], $0xffff  }
0x5e: {  	v18 =	vor.u32 v3, v15;
	v22 =	vmul.f32 v22, v7;
	v23 =	vadd.s32 $0x8000, v23;
	v25 =	vld.idx.msk [tilespmem:v25+s23+$0x0], $0xffff  }
0x5f: {  	v6 =	vadd.f32 v21, v6;
	v17 =	vmul.f32 v19, v17;
	v19 =	vand.u32 $0xFFFF0000, v23;
	v21 =	vld.idx.msk [tilespmem:v27+s22+$0x0], $0xffff  }
0x60: {  	v14 =	vadd.s32 $0x8000, v14;
	v8 =	vadd.f32 v22, v8;
	v19 =	vmul.f32 v19, v7;
	v23 =	vld.idx.msk [tilespmem:v27+s23+$0x0], $0xffff  }
0x61: {  	v14 =	vand.u32 $0xFFFF0000, v14;
	v16 =	vmul.f32 v20, v16;
	v17 =	vadd.s32 $0x8000, v17;
	v20 =	vld.idx.msk [tilespmem:v29+s22+$0x0], $0xffff  }
0x62: {  	v7 =	vmul.f32 v14, v7;
	v14 =	vand.u32 $0xFFFF0000, v17;
	v17 =	vld.idx.msk [tilespmem:v29+s23+$0x0], $0xffff;
	v11 =	vmul.f32 v11, v26  }
0x63: {  	v10 =	vadd.f32 v19, v10;
	v19 =	vld.idx.msk [tilespmem:v18+s22+$0x0], $0xffff;
	v13 =	vmul.f32 v13, v28;
	v16 =	vadd.s32 $0x8000, v16  }
0x64: {  	v18 =	vld.idx.msk [tilespmem:v18+s23+$0x0], $0xffff;
	v14 =	vmul.f32 v14, v12;
	v16 =	vand.u32 $0xFFFF0000, v16;
	v11 =	vadd.s32 $0x8000, v11  }
0x65: {  	v13 =	vadd.s32 $0x8000, v13;
	v16 =	vmul.f32 v16, v12;
	v11 =	vand.u32 $0xFFFF0000, v11  }
0x66: {  	v6 =	vadd.f32 v7, v6;
	v7 =	vld.idx.msk [tilespmem:v15+s18+$0x0], $0xffff;
	v13 =	vand.u32 $0xFFFF0000, v13;
	v11 =	vmul.f32 v11, v12  }
0x67: {  	v12 =	vmul.f32 v13, v12;
	v8 =	vadd.f32 v16, v8;
	v16 =	vmul.f32 v23, v21  }
0x68: {  	v15 =	vmul.f32 v25, v24;
	v17 =	vmul.f32 v17, v20  }
0x69: {  	v10 =	vadd.f32 v11, v10;
	v13 =	vadd.s32 $0x8000, v16;
	v16 =	vmul.f32 v18, v19  }
0x6a: {  	v6 =	vadd.f32 v12, v6;
	v17 =	vadd.s32 $0x8000, v17;
	v13 =	vand.u32 $0xFFFF0000, v13  }
0x6b: {  	v17 =	vand.u32 $0xFFFF0000, v17;
	v13 =	vmul.f32 v13, v7;
	v16 =	vadd.s32 $0x8000, v16  }
0x6c: {  	v15 =	vadd.s32 $0x8000, v15;
	v11 =	vmul.f32 v17, v7;
	v16 =	vand.u32 $0xFFFF0000, v16  }
0x6d: {  	v15 =	vand.u32 $0xFFFF0000, v15;
	v8 =	vadd.f32 v13, v8;
	v12 =	vmul.f32 v16, v7  }
0x6e: {  	v9 =	vadd.f32 v14, v9;
	v7 =	vmul.f32 v15, v7;
	v10 =	vadd.f32 v11, v10  }
0x6f: {  	v6 =	vadd.f32 v12, v6;
	v8 =	vadd.f32 v8, v5  }
0x70: {  	v7 =	vadd.f32 v7, v9;
	v9 =	vadd.f32 v10, v5  }
0x71: {  	[tilespmem:$0x10500] =	vst v8;
	v6 =	vadd.f32 v6, v5  }
0x72: {  	[tilespmem:$0x10510] =	vst v9;
	v7 =	vadd.f32 v7, v5  }
0x73: {  	[tilespmem:$0x10520] =	vst v6  }
0x74: {  	s30 =	simm.s32 $0x0;
	s17 =	simm.s32 $0x10500;
	[tilespmem:$0x10530] =	vst v7  }
0x75: {  	[hbm4b:s7+s30] =	stream.linear.scatter [tilespmem:s17], [sflag:$0x3], $0x40, $0x38;
	[tilespmem:$0x10700] =	vst v63  }
0x76: {  	s17 =	simm.s32 $0x100  }
0x77: {  	[tilespmem:s22], [sflag:$0x1] =	stream.indirect.gather [hbm4b:s1+s21], $0x80, s17, s21, $0xb8;
	[tilespmem:$0x10700] =	vst v63  }
0x78: {  	s17 =	simm.s32 $0x300  }
0x79: {  	v6 =	vadd.s32 s30, v0;
	[tilespmem:s23], [sflag:$0x2] =	stream.indirect.gather [hbm4b:s2+s21], $0x80, s17, s21, $0xb8;
	[tilespmem:$0x10700] =	vst v63  }
0x7a: {  	v6 =	vand.u32 $0x7F, v6;
	_ =	swait.ge [sflag:s19], $0x2000  }
0x7b: {  	v7 =	vor.u32 v4, v6;
	[sflag:s19] =	ssyncset.done $0x0  }
0x7c: {  	[sflag:s19] =	ssyncadd.s32 $0xFFFFE000  }
0x7d: {  	v8 =	vor.u32 v1, v6;
	_ =	swait.ge [sflag:s20], $0x2000  }
0x7e: {  	[sflag:s20] =	ssyncset.done $0x0  }
0x7f: {  	v9 =	vor.u32 v2, v6;
	[sflag:s20] =	ssyncadd.s32 $0xFFFFE000  }
0x80: {  	s30 =	simm.s32 $0x1;
	v10 =	vld.idx.msk [tilespmem:v7+s24+$0x0], $0xffff  }
0x81: {  	v12 =	vadd.s32 s30, v0;
	v7 =	vld.idx.msk [tilespmem:v7+s26+$0x0], $0xffff  }
0x82: {  	v11 =	vor.u32 v3, v6;
	v14 =	vand.u32 $0x7F, v12;
	v13 =	vld.idx.msk [tilespmem:v8+s24+$0x0], $0xffff  }
0x83: {  	v12 =	vor.u32 v4, v14;
	v8 =	vld.idx.msk [tilespmem:v8+s26+$0x0], $0xffff  }
0x84: {  	v15 =	vld.idx.msk [tilespmem:v9+s24+$0x0], $0xffff  }
0x85: {  	v17 =	vor.u32 v1, v14;
	v16 =	vld.idx.msk [tilespmem:v6+s18+$0x0], $0xffff  }
0x86: {  	v9 =	vld.idx.msk [tilespmem:v9+s26+$0x0], $0xffff  }
0x87: {  	v18 =	vld.idx.msk [tilespmem:v11+s24+$0x0], $0xffff  }
0x88: {  	v19 =	vor.u32 v2, v14;
	v20 =	vld.idx.msk [tilespmem:v12+s24+$0x0], $0xffff  }
0x89: {  	v21 =	vld.idx.msk [tilespmem:v12+s26+$0x0], $0xffff  }
0x8a: {  	v23 =	vld.idx.msk [tilespmem:v17+s24+$0x0], $0xffff  }
0x8b: {  	v24 =	vld.idx.msk [tilespmem:v17+s26+$0x0], $0xffff;
	v7 =	vmul.f32 v7, v10  }
0x8c: {  	s30 =	simm.s32 $0x2;
	v22 =	vor.u32 v3, v14;
	v6 =	vimm.f32 $0.0e+00;
	v10 =	vld.idx.msk [tilespmem:v11+s26+$0x0], $0xffff;
	v8 =	vmul.f32 v8, v13  }
0x8d: {  	v25 =	vld.idx.msk [tilespmem:v19+s24+$0x0], $0xffff;
	v11 =	vadd.s32 s30, v0;
	v13 =	vmul.f32 v9, v15;
	v7 =	vadd.s32 $0x8000, v7  }
0x8e: {  	v27 =	vld.idx.msk [tilespmem:v19+s26+$0x0], $0xffff;
	v19 =	vmul.f32 v21, v20;
	v12 =	vand.u32 $0x7F, v11;
	v7 =	vand.u32 $0xFFFF0000, v7  }
0x8f: {  	v8 =	vadd.s32 $0x8000, v8;
	v15 =	vor.u32 v4, v12;
	v7 =	vmul.f32 v7, v16  }
0x90: {  	v26 =	vor.u32 v1, v12;
	v11 =	vor.u32 v2, v12;
	v17 =	vadd.s32 $0x8000, v13  }
0x91: {  	v8 =	vand.u32 $0xFFFF0000, v8;
	v10 =	vmul.f32 v10, v18;
	v9 =	vadd.f32 v7, v6;
	v7 =	vld.idx.msk [tilespmem:v14+s18+$0x0], $0xffff  }
0x92: {  	v13 =	vor.u32 v3, v12;
	v17 =	vand.u32 $0xFFFF0000, v17;
	v8 =	vmul.f32 v8, v16;
	v18 =	vld.idx.msk [tilespmem:v22+s26+$0x0], $0xffff  }
0x93: {  	v20 =	vmul.f32 v17, v16;
	v14 =	vld.idx.msk [tilespmem:v22+s24+$0x0], $0xffff;
	v22 =	vmul.f32 v24, v23;
	v10 =	vadd.s32 $0x8000, v10  }
0x94: {  	v8 =	vadd.f32 v8, v6;
	v23 =	vadd.s32 $0x8000, v19;
	v17 =	vld.idx.msk [tilespmem:v15+s24+$0x0], $0xffff;
	v10 =	vand.u32 $0xFFFF0000, v10  }
0x95: {  	s30 =	simm.s32 $0x3;
	v19 =	vld.idx.msk [tilespmem:v15+s26+$0x0], $0xffff;
	v15 =	vand.u32 $0xFFFF0000, v23;
	v22 =	vadd.s32 $0x8000, v22;
	v21 =	vmul.f32 v10, v16  }
0x96: {  	v10 =	vadd.f32 v20, v6;
	v20 =	vadd.s32 s30, v0;
	v16 =	vld.idx.msk [tilespmem:v26+s24+$0x0], $0xffff;
	v24 =	vmul.f32 v15, v7  }
0x97: {  	v23 =	vmul.f32 v27, v25;
	s30 =	simm.s32 $0x4;
	v22 =	vand.u32 $0xFFFF0000, v22;
	v15 =	vand.u32 $0x7F, v20;
	v20 =	vld.idx.msk [tilespmem:v26+s26+$0x0], $0xffff  }
.LBB2_4:
0x98: {  	p0 =	sne.s32 s30, $0x7F;
	v25 =	vor.u32 v1, v15;
	v26 =	vor.u32 v4, v15;
	v27 =	vld.idx.msk [tilespmem:v11+s24+$0x0], $0xffff;
	v9 =	vadd.f32 v24, v9  }
0x99: {  	v24 =	vor.u32 v2, v15;
	v28 =	vor.u32 v3, v15;
	v31 =	vmul.f32 v18, v14;
	v29 =	vld.idx.msk [tilespmem:v12+s18+$0x0], $0xffff  }
0x9a: {  	v22 =	vmul.f32 v22, v7;
	v6 =	vadd.f32 v21, v6;
	v18 =	vadd.s32 $0x8000, v23;
	v30 =	vld.idx.msk [tilespmem:v11+s26+$0x0], $0xffff;
	v11 =	vmovc v24  }
0x9b: {  	v12 =	vmovc v15;
	v19 =	vmul.f32 v19, v17;
	v17 =	vand.u32 $0xFFFF0000, v18;
	v21 =	vadd.s32 $0x8000, v31;
	v14 =	vld.idx.msk [tilespmem:v13+s24+$0x0], $0xffff  }
.Ltmp1:
0x9c: {  	v8 =	vadd.f32 v22, v8;
	v15 =	vmul.f32 v17, v7;
	v21 =	vand.u32 $0xFFFF0000, v21;
	v18 =	vld.idx.msk [tilespmem:v13+s26+$0x0], $0xffff;
	v13 =	vmovc v28;
	(pc) =	sbr.rel @p0 .LBB2_4-.Ltmp1, $4  }
0x9d: {  	v20 =	vmul.f32 v20, v16;
	v16 =	vadd.s32 $0x8000, v19;
	v21 =	vmul.f32 v21, v7;
	v17 =	vld.idx.msk [tilespmem:v26+s24+$0x0], $0xffff  }
0x9e: {  	v23 =	vand.u32 $0xFFFF0000, v16;
	v10 =	vadd.f32 v15, v10;
	v19 =	vld.idx.msk [tilespmem:v26+s26+$0x0], $0xffff  }
0x9f: {  	v15 =	vadd.s32 s30, v0;
	v22 =	vadd.s32 $0x8000, v20;
	v24 =	vmul.f32 v23, v29;
	v7 =	vmovc v29;
	v16 =	vld.idx.msk [tilespmem:v25+s24+$0x0], $0xffff  }
0xa0: {  	s30 =	sadd.s32 $0x1, s30;
	v15 =	vand.u32 $0x7F, v15;
	v22 =	vand.u32 $0xFFFF0000, v22;
	v23 =	vmul.f32 v30, v27;
	v20 =	vld.idx.msk [tilespmem:v25+s26+$0x0], $0xffff  }
0xa1: {  	_ =	sdelay $0x3  }
0xa2: {  	v25 =	vor.u32 v4, v15;
	v26 =	vld.idx.msk [tilespmem:v11+s24+$0x0], $0xffff  }
0xa3: {  	v12 =	vld.idx.msk [tilespmem:v12+s18+$0x0], $0xffff  }
0xa4: {  	v27 =	vor.u32 v1, v15;
	v11 =	vld.idx.msk [tilespmem:v11+s26+$0x0], $0xffff  }
0xa5: {  	v28 =	vld.idx.msk [tilespmem:v13+s24+$0x0], $0xffff  }
0xa6: {  	v29 =	vor.u32 v2, v15;
	v13 =	vld.idx.msk [tilespmem:v13+s26+$0x0], $0xffff  }
0xa7: {  	v9 =	vadd.f32 v24, v9;
	v14 =	vmul.f32 v18, v14;
	v24 =	vld.idx.msk [tilespmem:v25+s24+$0x0], $0xffff  }
0xa8: {  	v18 =	vor.u32 v3, v15;
	v22 =	vmul.f32 v22, v7;
	v23 =	vadd.s32 $0x8000, v23;
	v25 =	vld.idx.msk [tilespmem:v25+s26+$0x0], $0xffff  }
0xa9: {  	v6 =	vadd.f32 v21, v6;
	v17 =	vmul.f32 v19, v17;
	v19 =	vand.u32 $0xFFFF0000, v23;
	v21 =	vld.idx.msk [tilespmem:v27+s24+$0x0], $0xffff  }
0xaa: {  	v14 =	vadd.s32 $0x8000, v14;
	v8 =	vadd.f32 v22, v8;
	v19 =	vmul.f32 v19, v7;
	v23 =	vld.idx.msk [tilespmem:v27+s26+$0x0], $0xffff  }
0xab: {  	v14 =	vand.u32 $0xFFFF0000, v14;
	v16 =	vmul.f32 v20, v16;
	v17 =	vadd.s32 $0x8000, v17;
	v20 =	vld.idx.msk [tilespmem:v29+s24+$0x0], $0xffff  }
0xac: {  	v7 =	vmul.f32 v14, v7;
	v14 =	vand.u32 $0xFFFF0000, v17;
	v17 =	vld.idx.msk [tilespmem:v29+s26+$0x0], $0xffff;
	v11 =	vmul.f32 v11, v26  }
0xad: {  	v10 =	vadd.f32 v19, v10;
	v19 =	vld.idx.msk [tilespmem:v18+s24+$0x0], $0xffff;
	v13 =	vmul.f32 v13, v28;
	v16 =	vadd.s32 $0x8000, v16  }
0xae: {  	v18 =	vld.idx.msk [tilespmem:v18+s26+$0x0], $0xffff;
	v14 =	vmul.f32 v14, v12;
	v16 =	vand.u32 $0xFFFF0000, v16;
	v11 =	vadd.s32 $0x8000, v11  }
0xaf: {  	v13 =	vadd.s32 $0x8000, v13;
	v16 =	vmul.f32 v16, v12;
	v11 =	vand.u32 $0xFFFF0000, v11  }
0xb0: {  	v6 =	vadd.f32 v7, v6;
	v7 =	vld.idx.msk [tilespmem:v15+s18+$0x0], $0xffff;
	v13 =	vand.u32 $0xFFFF0000, v13;
	v11 =	vmul.f32 v11, v12  }
0xb1: {  	v12 =	vmul.f32 v13, v12;
	v8 =	vadd.f32 v16, v8;
	v16 =	vmul.f32 v23, v21  }
0xb2: {  	v15 =	vmul.f32 v25, v24;
	v17 =	vmul.f32 v17, v20  }
0xb3: {  	v10 =	vadd.f32 v11, v10;
	v13 =	vadd.s32 $0x8000, v16;
	v16 =	vmul.f32 v18, v19  }
0xb4: {  	v6 =	vadd.f32 v12, v6;
	v17 =	vadd.s32 $0x8000, v17;
	v13 =	vand.u32 $0xFFFF0000, v13  }
0xb5: {  	v17 =	vand.u32 $0xFFFF0000, v17;
	v13 =	vmul.f32 v13, v7;
	v16 =	vadd.s32 $0x8000, v16  }
0xb6: {  	v15 =	vadd.s32 $0x8000, v15;
	v11 =	vmul.f32 v17, v7;
	v16 =	vand.u32 $0xFFFF0000, v16  }
0xb7: {  	v15 =	vand.u32 $0xFFFF0000, v15;
	v8 =	vadd.f32 v13, v8;
	v12 =	vmul.f32 v16, v7  }
0xb8: {  	v9 =	vadd.f32 v14, v9;
	v7 =	vmul.f32 v15, v7;
	v10 =	vadd.f32 v11, v10  }
0xb9: {  	v6 =	vadd.f32 v12, v6;
	v8 =	vadd.f32 v8, v5  }
0xba: {  	v7 =	vadd.f32 v7, v9;
	v9 =	vadd.f32 v10, v5  }
0xbb: {  	[tilespmem:$0x10540] =	vst v8;
	v6 =	vadd.f32 v6, v5  }
0xbc: {  	[tilespmem:$0x10550] =	vst v9;
	v7 =	vadd.f32 v7, v5  }
0xbd: {  	[tilespmem:$0x10560] =	vst v6  }
0xbe: {  	s30 =	simm.s32 $0x0;
	s17 =	simm.s32 $0x10540;
	[tilespmem:$0x10570] =	vst v7  }
0xbf: {  	[hbm4b:s9+s30] =	stream.linear.scatter [tilespmem:s17], [sflag:$0x3], $0x40, $0x38;
	[tilespmem:$0x10700] =	vst v63  }
0xc0: {  	s17 =	simm.s32 $0x140  }
0xc1: {  	[tilespmem:s24], [sflag:$0x1] =	stream.indirect.gather [hbm4b:s1+s21], $0x80, s17, s21, $0xb8;
	[tilespmem:$0x10700] =	vst v63  }
0xc2: {  	s17 =	simm.s32 $0x340  }
0xc3: {  	v6 =	vadd.s32 s30, v0;
	[tilespmem:s26], [sflag:$0x2] =	stream.indirect.gather [hbm4b:s2+s21], $0x80, s17, s21, $0xb8;
	[tilespmem:$0x10700] =	vst v63  }
0xc4: {  	v6 =	vand.u32 $0x7F, v6;
	_ =	swait.ge [sflag:s19], $0x2000  }
0xc5: {  	v7 =	vor.u32 v4, v6;
	[sflag:s19] =	ssyncset.done $0x0  }
0xc6: {  	[sflag:s19] =	ssyncadd.s32 $0xFFFFE000  }
0xc7: {  	v8 =	vor.u32 v1, v6;
	_ =	swait.ge [sflag:s20], $0x2000  }
0xc8: {  	[sflag:s20] =	ssyncset.done $0x0  }
0xc9: {  	v9 =	vor.u32 v2, v6;
	[sflag:s20] =	ssyncadd.s32 $0xFFFFE000  }
0xca: {  	s30 =	simm.s32 $0x1;
	v10 =	vld.idx.msk [tilespmem:v7+s29+$0x0], $0xffff  }
0xcb: {  	v12 =	vadd.s32 s30, v0;
	v7 =	vld.idx.msk [tilespmem:v7+s31+$0x0], $0xffff  }
0xcc: {  	v11 =	vor.u32 v3, v6;
	v14 =	vand.u32 $0x7F, v12;
	v13 =	vld.idx.msk [tilespmem:v8+s29+$0x0], $0xffff  }
0xcd: {  	v12 =	vor.u32 v4, v14;
	v8 =	vld.idx.msk [tilespmem:v8+s31+$0x0], $0xffff  }
0xce: {  	v15 =	vld.idx.msk [tilespmem:v9+s29+$0x0], $0xffff  }
0xcf: {  	v17 =	vor.u32 v1, v14;
	v16 =	vld.idx.msk [tilespmem:v6+s18+$0x0], $0xffff  }
0xd0: {  	v9 =	vld.idx.msk [tilespmem:v9+s31+$0x0], $0xffff  }
0xd1: {  	v18 =	vld.idx.msk [tilespmem:v11+s29+$0x0], $0xffff  }
0xd2: {  	v19 =	vor.u32 v2, v14;
	v20 =	vld.idx.msk [tilespmem:v12+s29+$0x0], $0xffff  }
0xd3: {  	v21 =	vld.idx.msk [tilespmem:v12+s31+$0x0], $0xffff  }
0xd4: {  	v23 =	vld.idx.msk [tilespmem:v17+s29+$0x0], $0xffff  }
0xd5: {  	v24 =	vld.idx.msk [tilespmem:v17+s31+$0x0], $0xffff;
	v7 =	vmul.f32 v7, v10  }
0xd6: {  	s30 =	simm.s32 $0x2;
	v22 =	vor.u32 v3, v14;
	v6 =	vimm.f32 $0.0e+00;
	v10 =	vld.idx.msk [tilespmem:v11+s31+$0x0], $0xffff;
	v8 =	vmul.f32 v8, v13  }
0xd7: {  	v25 =	vld.idx.msk [tilespmem:v19+s29+$0x0], $0xffff;
	v11 =	vadd.s32 s30, v0;
	v13 =	vmul.f32 v9, v15;
	v7 =	vadd.s32 $0x8000, v7  }
0xd8: {  	v27 =	vld.idx.msk [tilespmem:v19+s31+$0x0], $0xffff;
	v19 =	vmul.f32 v21, v20;
	v12 =	vand.u32 $0x7F, v11;
	v7 =	vand.u32 $0xFFFF0000, v7  }
0xd9: {  	v8 =	vadd.s32 $0x8000, v8;
	v15 =	vor.u32 v4, v12;
	v7 =	vmul.f32 v7, v16  }
0xda: {  	v26 =	vor.u32 v1, v12;
	v11 =	vor.u32 v2, v12;
	v17 =	vadd.s32 $0x8000, v13  }
0xdb: {  	v8 =	vand.u32 $0xFFFF0000, v8;
	v10 =	vmul.f32 v10, v18;
	v9 =	vadd.f32 v7, v6;
	v7 =	vld.idx.msk [tilespmem:v14+s18+$0x0], $0xffff  }
0xdc: {  	v13 =	vor.u32 v3, v12;
	v17 =	vand.u32 $0xFFFF0000, v17;
	v8 =	vmul.f32 v8, v16;
	v18 =	vld.idx.msk [tilespmem:v22+s31+$0x0], $0xffff  }
0xdd: {  	v20 =	vmul.f32 v17, v16;
	v14 =	vld.idx.msk [tilespmem:v22+s29+$0x0], $0xffff;
	v22 =	vmul.f32 v24, v23;
	v10 =	vadd.s32 $0x8000, v10  }
0xde: {  	v8 =	vadd.f32 v8, v6;
	v23 =	vadd.s32 $0x8000, v19;
	v17 =	vld.idx.msk [tilespmem:v15+s29+$0x0], $0xffff;
	v10 =	vand.u32 $0xFFFF0000, v10  }
0xdf: {  	s30 =	simm.s32 $0x3;
	v19 =	vld.idx.msk [tilespmem:v15+s31+$0x0], $0xffff;
	v15 =	vand.u32 $0xFFFF0000, v23;
	v22 =	vadd.s32 $0x8000, v22;
	v21 =	vmul.f32 v10, v16  }
0xe0: {  	v10 =	vadd.f32 v20, v6;
	v20 =	vadd.s32 s30, v0;
	v16 =	vld.idx.msk [tilespmem:v26+s29+$0x0], $0xffff;
	v24 =	vmul.f32 v15, v7  }
0xe1: {  	v23 =	vmul.f32 v27, v25;
	s30 =	simm.s32 $0x4;
	v22 =	vand.u32 $0xFFFF0000, v22;
	v15 =	vand.u32 $0x7F, v20;
	v20 =	vld.idx.msk [tilespmem:v26+s31+$0x0], $0xffff  }
.LBB2_6:
0xe2: {  	p0 =	sne.s32 s30, $0x7F;
	v25 =	vor.u32 v1, v15;
	v26 =	vor.u32 v4, v15;
	v27 =	vld.idx.msk [tilespmem:v11+s29+$0x0], $0xffff;
	v9 =	vadd.f32 v24, v9  }
0xe3: {  	v24 =	vor.u32 v2, v15;
	v28 =	vor.u32 v3, v15;
	v31 =	vmul.f32 v18, v14;
	v29 =	vld.idx.msk [tilespmem:v12+s18+$0x0], $0xffff  }
0xe4: {  	v22 =	vmul.f32 v22, v7;
	v6 =	vadd.f32 v21, v6;
	v18 =	vadd.s32 $0x8000, v23;
	v30 =	vld.idx.msk [tilespmem:v11+s31+$0x0], $0xffff;
	v11 =	vmovc v24  }
0xe5: {  	v12 =	vmovc v15;
	v19 =	vmul.f32 v19, v17;
	v17 =	vand.u32 $0xFFFF0000, v18;
	v21 =	vadd.s32 $0x8000, v31;
	v14 =	vld.idx.msk [tilespmem:v13+s29+$0x0], $0xffff  }
.Ltmp2:
0xe6: {  	v8 =	vadd.f32 v22, v8;
	v15 =	vmul.f32 v17, v7;
	v21 =	vand.u32 $0xFFFF0000, v21;
	v18 =	vld.idx.msk [tilespmem:v13+s31+$0x0], $0xffff;
	v13 =	vmovc v28;
	(pc) =	sbr.rel @p0 .LBB2_6-.Ltmp2, $4  }
0xe7: {  	v20 =	vmul.f32 v20, v16;
	v16 =	vadd.s32 $0x8000, v19;
	v21 =	vmul.f32 v21, v7;
	v17 =	vld.idx.msk [tilespmem:v26+s29+$0x0], $0xffff  }
0xe8: {  	v23 =	vand.u32 $0xFFFF0000, v16;
	v10 =	vadd.f32 v15, v10;
	v19 =	vld.idx.msk [tilespmem:v26+s31+$0x0], $0xffff  }
0xe9: {  	v15 =	vadd.s32 s30, v0;
	v22 =	vadd.s32 $0x8000, v20;
	v24 =	vmul.f32 v23, v29;
	v7 =	vmovc v29;
	v16 =	vld.idx.msk [tilespmem:v25+s29+$0x0], $0xffff  }
0xea: {  	s30 =	sadd.s32 $0x1, s30;
	v15 =	vand.u32 $0x7F, v15;
	v22 =	vand.u32 $0xFFFF0000, v22;
	v23 =	vmul.f32 v30, v27;
	v20 =	vld.idx.msk [tilespmem:v25+s31+$0x0], $0xffff  }
0xeb: {  	_ =	sdelay $0x3  }
0xec: {  	v25 =	vor.u32 v4, v15;
	v26 =	vld.idx.msk [tilespmem:v11+s29+$0x0], $0xffff  }
0xed: {  	v12 =	vld.idx.msk [tilespmem:v12+s18+$0x0], $0xffff  }
0xee: {  	v27 =	vor.u32 v1, v15;
	v11 =	vld.idx.msk [tilespmem:v11+s31+$0x0], $0xffff  }
0xef: {  	v28 =	vld.idx.msk [tilespmem:v13+s29+$0x0], $0xffff  }
0xf0: {  	v29 =	vor.u32 v2, v15;
	v13 =	vld.idx.msk [tilespmem:v13+s31+$0x0], $0xffff  }
0xf1: {  	v9 =	vadd.f32 v24, v9;
	v14 =	vmul.f32 v18, v14;
	v24 =	vld.idx.msk [tilespmem:v25+s29+$0x0], $0xffff  }
0xf2: {  	v18 =	vor.u32 v3, v15;
	v22 =	vmul.f32 v22, v7;
	v23 =	vadd.s32 $0x8000, v23;
	v25 =	vld.idx.msk [tilespmem:v25+s31+$0x0], $0xffff  }
0xf3: {  	v6 =	vadd.f32 v21, v6;
	v17 =	vmul.f32 v19, v17;
	v19 =	vand.u32 $0xFFFF0000, v23;
	v21 =	vld.idx.msk [tilespmem:v27+s29+$0x0], $0xffff  }
0xf4: {  	v14 =	vadd.s32 $0x8000, v14;
	v8 =	vadd.f32 v22, v8;
	v19 =	vmul.f32 v19, v7;
	v23 =	vld.idx.msk [tilespmem:v27+s31+$0x0], $0xffff  }
0xf5: {  	v14 =	vand.u32 $0xFFFF0000, v14;
	v16 =	vmul.f32 v20, v16;
	v17 =	vadd.s32 $0x8000, v17;
	v20 =	vld.idx.msk [tilespmem:v29+s29+$0x0], $0xffff  }
0xf6: {  	v7 =	vmul.f32 v14, v7;
	v14 =	vand.u32 $0xFFFF0000, v17;
	v17 =	vld.idx.msk [tilespmem:v29+s31+$0x0], $0xffff;
	v11 =	vmul.f32 v11, v26  }
0xf7: {  	v10 =	vadd.f32 v19, v10;
	v19 =	vld.idx.msk [tilespmem:v18+s29+$0x0], $0xffff;
	v13 =	vmul.f32 v13, v28;
	v16 =	vadd.s32 $0x8000, v16  }
0xf8: {  	v18 =	vld.idx.msk [tilespmem:v18+s31+$0x0], $0xffff;
	v14 =	vmul.f32 v14, v12;
	v16 =	vand.u32 $0xFFFF0000, v16;
	v11 =	vadd.s32 $0x8000, v11  }
0xf9: {  	v13 =	vadd.s32 $0x8000, v13;
	v16 =	vmul.f32 v16, v12;
	v11 =	vand.u32 $0xFFFF0000, v11  }
0xfa: {  	v6 =	vadd.f32 v7, v6;
	v7 =	vld.idx.msk [tilespmem:v15+s18+$0x0], $0xffff;
	v13 =	vand.u32 $0xFFFF0000, v13;
	v11 =	vmul.f32 v11, v12  }
0xfb: {  	v12 =	vmul.f32 v13, v12;
	v8 =	vadd.f32 v16, v8;
	v16 =	vmul.f32 v23, v21  }
0xfc: {  	v15 =	vmul.f32 v25, v24;
	v17 =	vmul.f32 v17, v20  }
0xfd: {  	v10 =	vadd.f32 v11, v10;
	v13 =	vadd.s32 $0x8000, v16;
	v16 =	vmul.f32 v18, v19  }
0xfe: {  	v6 =	vadd.f32 v12, v6;
	v17 =	vadd.s32 $0x8000, v17;
	v13 =	vand.u32 $0xFFFF0000, v13  }
0xff: {  	v17 =	vand.u32 $0xFFFF0000, v17;
	v13 =	vmul.f32 v13, v7;
	v16 =	vadd.s32 $0x8000, v16  }
0x100: {  	v15 =	vadd.s32 $0x8000, v15;
	v11 =	vmul.f32 v17, v7;
	v16 =	vand.u32 $0xFFFF0000, v16  }
0x101: {  	v15 =	vand.u32 $0xFFFF0000, v15;
	v8 =	vadd.f32 v13, v8;
	v12 =	vmul.f32 v16, v7  }
0x102: {  	v9 =	vadd.f32 v14, v9;
	v7 =	vmul.f32 v15, v7;
	v10 =	vadd.f32 v11, v10  }
0x103: {  	v6 =	vadd.f32 v12, v6;
	v8 =	vadd.f32 v8, v5  }
0x104: {  	v7 =	vadd.f32 v7, v9;
	v9 =	vadd.f32 v10, v5  }
0x105: {  	[tilespmem:$0x10580] =	vst v8;
	v6 =	vadd.f32 v6, v5  }
0x106: {  	[tilespmem:$0x10590] =	vst v9;
	v7 =	vadd.f32 v7, v5  }
0x107: {  	[tilespmem:$0x105A0] =	vst v6  }
0x108: {  	s30 =	simm.s32 $0x0;
	s17 =	simm.s32 $0x10580;
	[tilespmem:$0x105B0] =	vst v7  }
0x109: {  	[hbm4b:s10+s30] =	stream.linear.scatter [tilespmem:s17], [sflag:$0x3], $0x40, $0x38;
	[tilespmem:$0x10700] =	vst v63  }
0x10a: {  	s17 =	simm.s32 $0x180  }
0x10b: {  	[tilespmem:s29], [sflag:$0x1] =	stream.indirect.gather [hbm4b:s1+s21], $0x80, s17, s21, $0xb8;
	[tilespmem:$0x10700] =	vst v63  }
0x10c: {  	s17 =	simm.s32 $0x380  }
0x10d: {  	v6 =	vadd.s32 s30, v0;
	[tilespmem:s31], [sflag:$0x2] =	stream.indirect.gather [hbm4b:s2+s21], $0x80, s17, s21, $0xb8;
	[tilespmem:$0x10700] =	vst v63  }
0x10e: {  	v6 =	vand.u32 $0x7F, v6;
	_ =	swait.ge [sflag:s19], $0x2000  }
0x10f: {  	v7 =	vor.u32 v4, v6;
	[sflag:s19] =	ssyncset.done $0x0  }
0x110: {  	[sflag:s19] =	ssyncadd.s32 $0xFFFFE000  }
0x111: {  	v8 =	vor.u32 v1, v6;
	_ =	swait.ge [sflag:s20], $0x2000  }
0x112: {  	[sflag:s20] =	ssyncset.done $0x0  }
0x113: {  	v9 =	vor.u32 v2, v6;
	[sflag:s20] =	ssyncadd.s32 $0xFFFFE000  }
0x114: {  	s30 =	simm.s32 $0x1;
	v10 =	vld.idx.msk [tilespmem:v7+s3+$0x0], $0xffff  }
0x115: {  	v12 =	vadd.s32 s30, v0;
	v7 =	vld.idx.msk [tilespmem:v7+s28+$0x0], $0xffff  }
0x116: {  	v11 =	vor.u32 v3, v6;
	v14 =	vand.u32 $0x7F, v12;
	v13 =	vld.idx.msk [tilespmem:v8+s3+$0x0], $0xffff  }
0x117: {  	v12 =	vor.u32 v4, v14;
	v8 =	vld.idx.msk [tilespmem:v8+s28+$0x0], $0xffff  }
0x118: {  	v15 =	vld.idx.msk [tilespmem:v9+s3+$0x0], $0xffff  }
0x119: {  	v17 =	vor.u32 v1, v14;
	v16 =	vld.idx.msk [tilespmem:v6+s18+$0x0], $0xffff  }
0x11a: {  	v9 =	vld.idx.msk [tilespmem:v9+s28+$0x0], $0xffff  }
0x11b: {  	v18 =	vld.idx.msk [tilespmem:v11+s3+$0x0], $0xffff  }
0x11c: {  	v19 =	vor.u32 v2, v14;
	v20 =	vld.idx.msk [tilespmem:v12+s3+$0x0], $0xffff  }
0x11d: {  	v21 =	vld.idx.msk [tilespmem:v12+s28+$0x0], $0xffff  }
0x11e: {  	v23 =	vld.idx.msk [tilespmem:v17+s3+$0x0], $0xffff  }
0x11f: {  	v24 =	vld.idx.msk [tilespmem:v17+s28+$0x0], $0xffff;
	v7 =	vmul.f32 v7, v10  }
0x120: {  	s30 =	simm.s32 $0x2;
	v22 =	vor.u32 v3, v14;
	v6 =	vimm.f32 $0.0e+00;
	v10 =	vld.idx.msk [tilespmem:v11+s28+$0x0], $0xffff;
	v8 =	vmul.f32 v8, v13  }
0x121: {  	v25 =	vld.idx.msk [tilespmem:v19+s3+$0x0], $0xffff;
	v11 =	vadd.s32 s30, v0;
	v13 =	vmul.f32 v9, v15;
	v7 =	vadd.s32 $0x8000, v7  }
0x122: {  	v27 =	vld.idx.msk [tilespmem:v19+s28+$0x0], $0xffff;
	v19 =	vmul.f32 v21, v20;
	v12 =	vand.u32 $0x7F, v11;
	v7 =	vand.u32 $0xFFFF0000, v7  }
0x123: {  	v8 =	vadd.s32 $0x8000, v8;
	v15 =	vor.u32 v4, v12;
	v7 =	vmul.f32 v7, v16  }
0x124: {  	v26 =	vor.u32 v1, v12;
	v11 =	vor.u32 v2, v12;
	v17 =	vadd.s32 $0x8000, v13  }
0x125: {  	v8 =	vand.u32 $0xFFFF0000, v8;
	v10 =	vmul.f32 v10, v18;
	v9 =	vadd.f32 v7, v6;
	v7 =	vld.idx.msk [tilespmem:v14+s18+$0x0], $0xffff  }
0x126: {  	v13 =	vor.u32 v3, v12;
	v17 =	vand.u32 $0xFFFF0000, v17;
	v8 =	vmul.f32 v8, v16;
	v18 =	vld.idx.msk [tilespmem:v22+s28+$0x0], $0xffff  }
0x127: {  	v20 =	vmul.f32 v17, v16;
	v14 =	vld.idx.msk [tilespmem:v22+s3+$0x0], $0xffff;
	v22 =	vmul.f32 v24, v23;
	v10 =	vadd.s32 $0x8000, v10  }
0x128: {  	v8 =	vadd.f32 v8, v6;
	v23 =	vadd.s32 $0x8000, v19;
	v17 =	vld.idx.msk [tilespmem:v15+s3+$0x0], $0xffff;
	v10 =	vand.u32 $0xFFFF0000, v10  }
0x129: {  	s30 =	simm.s32 $0x3;
	v19 =	vld.idx.msk [tilespmem:v15+s28+$0x0], $0xffff;
	v15 =	vand.u32 $0xFFFF0000, v23;
	v22 =	vadd.s32 $0x8000, v22;
	v21 =	vmul.f32 v10, v16  }
0x12a: {  	v10 =	vadd.f32 v20, v6;
	v20 =	vadd.s32 s30, v0;
	v16 =	vld.idx.msk [tilespmem:v26+s3+$0x0], $0xffff;
	v24 =	vmul.f32 v15, v7  }
0x12b: {  	v23 =	vmul.f32 v27, v25;
	s30 =	simm.s32 $0x4;
	v22 =	vand.u32 $0xFFFF0000, v22;
	v15 =	vand.u32 $0x7F, v20;
	v20 =	vld.idx.msk [tilespmem:v26+s28+$0x0], $0xffff  }
.LBB2_8:
0x12c: {  	p0 =	sne.s32 s30, $0x7F;
	v25 =	vor.u32 v1, v15;
	v26 =	vor.u32 v4, v15;
	v27 =	vld.idx.msk [tilespmem:v11+s3+$0x0], $0xffff;
	v9 =	vadd.f32 v24, v9  }
0x12d: {  	v24 =	vor.u32 v2, v15;
	v28 =	vor.u32 v3, v15;
	v31 =	vmul.f32 v18, v14;
	v29 =	vld.idx.msk [tilespmem:v12+s18+$0x0], $0xffff  }
0x12e: {  	v22 =	vmul.f32 v22, v7;
	v6 =	vadd.f32 v21, v6;
	v18 =	vadd.s32 $0x8000, v23;
	v30 =	vld.idx.msk [tilespmem:v11+s28+$0x0], $0xffff;
	v11 =	vmovc v24  }
0x12f: {  	v12 =	vmovc v15;
	v19 =	vmul.f32 v19, v17;
	v17 =	vand.u32 $0xFFFF0000, v18;
	v21 =	vadd.s32 $0x8000, v31;
	v14 =	vld.idx.msk [tilespmem:v13+s3+$0x0], $0xffff  }
.Ltmp3:
0x130: {  	v8 =	vadd.f32 v22, v8;
	v15 =	vmul.f32 v17, v7;
	v21 =	vand.u32 $0xFFFF0000, v21;
	v18 =	vld.idx.msk [tilespmem:v13+s28+$0x0], $0xffff;
	v13 =	vmovc v28;
	(pc) =	sbr.rel @p0 .LBB2_8-.Ltmp3, $4  }
0x131: {  	v20 =	vmul.f32 v20, v16;
	v16 =	vadd.s32 $0x8000, v19;
	v21 =	vmul.f32 v21, v7;
	v17 =	vld.idx.msk [tilespmem:v26+s3+$0x0], $0xffff  }
0x132: {  	v23 =	vand.u32 $0xFFFF0000, v16;
	v10 =	vadd.f32 v15, v10;
	v19 =	vld.idx.msk [tilespmem:v26+s28+$0x0], $0xffff  }
0x133: {  	v15 =	vadd.s32 s30, v0;
	v22 =	vadd.s32 $0x8000, v20;
	v24 =	vmul.f32 v23, v29;
	v7 =	vmovc v29;
	v16 =	vld.idx.msk [tilespmem:v25+s3+$0x0], $0xffff  }
0x134: {  	s30 =	sadd.s32 $0x1, s30;
	v15 =	vand.u32 $0x7F, v15;
	v22 =	vand.u32 $0xFFFF0000, v22;
	v23 =	vmul.f32 v30, v27;
	v20 =	vld.idx.msk [tilespmem:v25+s28+$0x0], $0xffff  }
0x135: {  	_ =	sdelay $0x3  }
0x136: {  	v25 =	vor.u32 v4, v15;
	v26 =	vld.idx.msk [tilespmem:v11+s3+$0x0], $0xffff  }
0x137: {  	v12 =	vld.idx.msk [tilespmem:v12+s18+$0x0], $0xffff  }
0x138: {  	v27 =	vor.u32 v1, v15;
	v11 =	vld.idx.msk [tilespmem:v11+s28+$0x0], $0xffff  }
0x139: {  	v28 =	vld.idx.msk [tilespmem:v13+s3+$0x0], $0xffff  }
0x13a: {  	v29 =	vor.u32 v2, v15;
	v13 =	vld.idx.msk [tilespmem:v13+s28+$0x0], $0xffff  }
0x13b: {  	v9 =	vadd.f32 v24, v9;
	v14 =	vmul.f32 v18, v14;
	v24 =	vld.idx.msk [tilespmem:v25+s3+$0x0], $0xffff  }
0x13c: {  	v18 =	vor.u32 v3, v15;
	v22 =	vmul.f32 v22, v7;
	v23 =	vadd.s32 $0x8000, v23;
	v25 =	vld.idx.msk [tilespmem:v25+s28+$0x0], $0xffff  }
0x13d: {  	v6 =	vadd.f32 v21, v6;
	v17 =	vmul.f32 v19, v17;
	v19 =	vand.u32 $0xFFFF0000, v23;
	v21 =	vld.idx.msk [tilespmem:v27+s3+$0x0], $0xffff  }
0x13e: {  	v14 =	vadd.s32 $0x8000, v14;
	v8 =	vadd.f32 v22, v8;
	v19 =	vmul.f32 v19, v7;
	v23 =	vld.idx.msk [tilespmem:v27+s28+$0x0], $0xffff  }
0x13f: {  	v14 =	vand.u32 $0xFFFF0000, v14;
	v16 =	vmul.f32 v20, v16;
	v17 =	vadd.s32 $0x8000, v17;
	v20 =	vld.idx.msk [tilespmem:v29+s3+$0x0], $0xffff  }
0x140: {  	v7 =	vmul.f32 v14, v7;
	v14 =	vand.u32 $0xFFFF0000, v17;
	v17 =	vld.idx.msk [tilespmem:v29+s28+$0x0], $0xffff;
	v11 =	vmul.f32 v11, v26  }
0x141: {  	v10 =	vadd.f32 v19, v10;
	v19 =	vld.idx.msk [tilespmem:v18+s3+$0x0], $0xffff;
	v13 =	vmul.f32 v13, v28;
	v16 =	vadd.s32 $0x8000, v16  }
0x142: {  	v18 =	vld.idx.msk [tilespmem:v18+s28+$0x0], $0xffff;
	v14 =	vmul.f32 v14, v12;
	v16 =	vand.u32 $0xFFFF0000, v16;
	v11 =	vadd.s32 $0x8000, v11  }
0x143: {  	v13 =	vadd.s32 $0x8000, v13;
	v16 =	vmul.f32 v16, v12;
	v11 =	vand.u32 $0xFFFF0000, v11  }
0x144: {  	v6 =	vadd.f32 v7, v6;
	v7 =	vld.idx.msk [tilespmem:v15+s18+$0x0], $0xffff;
	v13 =	vand.u32 $0xFFFF0000, v13;
	v11 =	vmul.f32 v11, v12  }
0x145: {  	v12 =	vmul.f32 v13, v12;
	v8 =	vadd.f32 v16, v8;
	v16 =	vmul.f32 v23, v21  }
0x146: {  	v15 =	vmul.f32 v25, v24;
	v17 =	vmul.f32 v17, v20  }
0x147: {  	v10 =	vadd.f32 v11, v10;
	v13 =	vadd.s32 $0x8000, v16;
	v16 =	vmul.f32 v18, v19  }
0x148: {  	v6 =	vadd.f32 v12, v6;
	v17 =	vadd.s32 $0x8000, v17;
	v13 =	vand.u32 $0xFFFF0000, v13  }
0x149: {  	v17 =	vand.u32 $0xFFFF0000, v17;
	v13 =	vmul.f32 v13, v7;
	v16 =	vadd.s32 $0x8000, v16  }
0x14a: {  	v15 =	vadd.s32 $0x8000, v15;
	v11 =	vmul.f32 v17, v7;
	v16 =	vand.u32 $0xFFFF0000, v16  }
0x14b: {  	v15 =	vand.u32 $0xFFFF0000, v15;
	v8 =	vadd.f32 v13, v8;
	v12 =	vmul.f32 v16, v7  }
0x14c: {  	v9 =	vadd.f32 v14, v9;
	v7 =	vmul.f32 v15, v7;
	v10 =	vadd.f32 v11, v10  }
0x14d: {  	v6 =	vadd.f32 v12, v6;
	v8 =	vadd.f32 v8, v5  }
0x14e: {  	v7 =	vadd.f32 v7, v9;
	v9 =	vadd.f32 v10, v5  }
0x14f: {  	[tilespmem:$0x105C0] =	vst v8;
	v6 =	vadd.f32 v6, v5  }
0x150: {  	[tilespmem:$0x105D0] =	vst v9;
	v7 =	vadd.f32 v7, v5  }
0x151: {  	[tilespmem:$0x105E0] =	vst v6  }
0x152: {  	s30 =	simm.s32 $0x0;
	s17 =	simm.s32 $0x105C0;
	[tilespmem:$0x105F0] =	vst v7  }
0x153: {  	[hbm4b:s11+s30] =	stream.linear.scatter [tilespmem:s17], [sflag:$0x3], $0x40, $0x38;
	[tilespmem:$0x10700] =	vst v63  }
0x154: {  	s17 =	simm.s32 $0x1C0  }
0x155: {  	[tilespmem:s3], [sflag:$0x1] =	stream.indirect.gather [hbm4b:s1+s21], $0x80, s17, s21, $0xb8;
	[tilespmem:$0x10700] =	vst v63  }
0x156: {  	s17 =	simm.s32 $0x3C0  }
0x157: {  	v6 =	vadd.s32 s30, v0;
	[tilespmem:s28], [sflag:$0x2] =	stream.indirect.gather [hbm4b:s2+s21], $0x80, s17, s21, $0xb8;
	[tilespmem:$0x10700] =	vst v63  }
0x158: {  	v6 =	vand.u32 $0x7F, v6;
	_ =	swait.ge [sflag:s19], $0x2000  }
0x159: {  	v7 =	vor.u32 v4, v6;
	[sflag:s19] =	ssyncset.done $0x0  }
0x15a: {  	[sflag:s19] =	ssyncadd.s32 $0xFFFFE000  }
0x15b: {  	v8 =	vor.u32 v1, v6;
	_ =	swait.ge [sflag:s20], $0x2000  }
0x15c: {  	[sflag:s20] =	ssyncset.done $0x0  }
0x15d: {  	v9 =	vor.u32 v2, v6;
	[sflag:s20] =	ssyncadd.s32 $0xFFFFE000  }
0x15e: {  	s30 =	simm.s32 $0x1;
	v10 =	vld.idx.msk [tilespmem:v7+s22+$0x0], $0xffff  }
0x15f: {  	v12 =	vadd.s32 s30, v0;
	v7 =	vld.idx.msk [tilespmem:v7+s23+$0x0], $0xffff  }
0x160: {  	v11 =	vor.u32 v3, v6;
	v14 =	vand.u32 $0x7F, v12;
	v13 =	vld.idx.msk [tilespmem:v8+s22+$0x0], $0xffff  }
0x161: {  	v12 =	vor.u32 v4, v14;
	v8 =	vld.idx.msk [tilespmem:v8+s23+$0x0], $0xffff  }
0x162: {  	v15 =	vld.idx.msk [tilespmem:v9+s22+$0x0], $0xffff  }
0x163: {  	v17 =	vor.u32 v1, v14;
	v16 =	vld.idx.msk [tilespmem:v6+s18+$0x0], $0xffff  }
0x164: {  	v9 =	vld.idx.msk [tilespmem:v9+s23+$0x0], $0xffff  }
0x165: {  	v18 =	vld.idx.msk [tilespmem:v11+s22+$0x0], $0xffff  }
0x166: {  	v19 =	vor.u32 v2, v14;
	v20 =	vld.idx.msk [tilespmem:v12+s22+$0x0], $0xffff  }
0x167: {  	v21 =	vld.idx.msk [tilespmem:v12+s23+$0x0], $0xffff  }
0x168: {  	v23 =	vld.idx.msk [tilespmem:v17+s22+$0x0], $0xffff  }
0x169: {  	v24 =	vld.idx.msk [tilespmem:v17+s23+$0x0], $0xffff;
	v7 =	vmul.f32 v7, v10  }
0x16a: {  	s30 =	simm.s32 $0x2;
	v22 =	vor.u32 v3, v14;
	v6 =	vimm.f32 $0.0e+00;
	v10 =	vld.idx.msk [tilespmem:v11+s23+$0x0], $0xffff;
	v8 =	vmul.f32 v8, v13  }
0x16b: {  	v25 =	vld.idx.msk [tilespmem:v19+s22+$0x0], $0xffff;
	v11 =	vadd.s32 s30, v0;
	v13 =	vmul.f32 v9, v15;
	v7 =	vadd.s32 $0x8000, v7  }
0x16c: {  	v27 =	vld.idx.msk [tilespmem:v19+s23+$0x0], $0xffff;
	v19 =	vmul.f32 v21, v20;
	v12 =	vand.u32 $0x7F, v11;
	v7 =	vand.u32 $0xFFFF0000, v7  }
0x16d: {  	v8 =	vadd.s32 $0x8000, v8;
	v15 =	vor.u32 v4, v12;
	v7 =	vmul.f32 v7, v16  }
0x16e: {  	v26 =	vor.u32 v1, v12;
	v11 =	vor.u32 v2, v12;
	v17 =	vadd.s32 $0x8000, v13  }
0x16f: {  	v8 =	vand.u32 $0xFFFF0000, v8;
	v10 =	vmul.f32 v10, v18;
	v9 =	vadd.f32 v7, v6;
	v7 =	vld.idx.msk [tilespmem:v14+s18+$0x0], $0xffff  }
0x170: {  	v13 =	vor.u32 v3, v12;
	v17 =	vand.u32 $0xFFFF0000, v17;
	v8 =	vmul.f32 v8, v16;
	v18 =	vld.idx.msk [tilespmem:v22+s23+$0x0], $0xffff  }
0x171: {  	v20 =	vmul.f32 v17, v16;
	v14 =	vld.idx.msk [tilespmem:v22+s22+$0x0], $0xffff;
	v22 =	vmul.f32 v24, v23;
	v10 =	vadd.s32 $0x8000, v10  }
0x172: {  	v8 =	vadd.f32 v8, v6;
	v23 =	vadd.s32 $0x8000, v19;
	v17 =	vld.idx.msk [tilespmem:v15+s22+$0x0], $0xffff;
	v10 =	vand.u32 $0xFFFF0000, v10  }
0x173: {  	s30 =	simm.s32 $0x3;
	v19 =	vld.idx.msk [tilespmem:v15+s23+$0x0], $0xffff;
	v15 =	vand.u32 $0xFFFF0000, v23;
	v22 =	vadd.s32 $0x8000, v22;
	v21 =	vmul.f32 v10, v16  }
0x174: {  	v10 =	vadd.f32 v20, v6;
	v20 =	vadd.s32 s30, v0;
	v16 =	vld.idx.msk [tilespmem:v26+s22+$0x0], $0xffff;
	v24 =	vmul.f32 v15, v7  }
0x175: {  	v23 =	vmul.f32 v27, v25;
	s30 =	simm.s32 $0x4;
	v22 =	vand.u32 $0xFFFF0000, v22;
	v15 =	vand.u32 $0x7F, v20;
	v20 =	vld.idx.msk [tilespmem:v26+s23+$0x0], $0xffff  }
.LBB2_10:
0x176: {  	p0 =	sne.s32 s30, $0x7F;
	v25 =	vor.u32 v1, v15;
	v26 =	vor.u32 v4, v15;
	v27 =	vld.idx.msk [tilespmem:v11+s22+$0x0], $0xffff;
	v9 =	vadd.f32 v24, v9  }
0x177: {  	v24 =	vor.u32 v2, v15;
	v28 =	vor.u32 v3, v15;
	v31 =	vmul.f32 v18, v14;
	v29 =	vld.idx.msk [tilespmem:v12+s18+$0x0], $0xffff  }
0x178: {  	v22 =	vmul.f32 v22, v7;
	v6 =	vadd.f32 v21, v6;
	v18 =	vadd.s32 $0x8000, v23;
	v30 =	vld.idx.msk [tilespmem:v11+s23+$0x0], $0xffff;
	v11 =	vmovc v24  }
0x179: {  	v12 =	vmovc v15;
	v19 =	vmul.f32 v19, v17;
	v17 =	vand.u32 $0xFFFF0000, v18;
	v21 =	vadd.s32 $0x8000, v31;
	v14 =	vld.idx.msk [tilespmem:v13+s22+$0x0], $0xffff  }
.Ltmp4:
0x17a: {  	v8 =	vadd.f32 v22, v8;
	v15 =	vmul.f32 v17, v7;
	v21 =	vand.u32 $0xFFFF0000, v21;
	v18 =	vld.idx.msk [tilespmem:v13+s23+$0x0], $0xffff;
	v13 =	vmovc v28;
	(pc) =	sbr.rel @p0 .LBB2_10-.Ltmp4, $4  }
0x17b: {  	v20 =	vmul.f32 v20, v16;
	v16 =	vadd.s32 $0x8000, v19;
	v21 =	vmul.f32 v21, v7;
	v17 =	vld.idx.msk [tilespmem:v26+s22+$0x0], $0xffff  }
0x17c: {  	v23 =	vand.u32 $0xFFFF0000, v16;
	v10 =	vadd.f32 v15, v10;
	v19 =	vld.idx.msk [tilespmem:v26+s23+$0x0], $0xffff  }
0x17d: {  	v15 =	vadd.s32 s30, v0;
	v22 =	vadd.s32 $0x8000, v20;
	v24 =	vmul.f32 v23, v29;
	v7 =	vmovc v29;
	v16 =	vld.idx.msk [tilespmem:v25+s22+$0x0], $0xffff  }
0x17e: {  	s30 =	sadd.s32 $0x1, s30;
	v15 =	vand.u32 $0x7F, v15;
	v22 =	vand.u32 $0xFFFF0000, v22;
	v23 =	vmul.f32 v30, v27;
	v20 =	vld.idx.msk [tilespmem:v25+s23+$0x0], $0xffff  }
0x17f: {  	_ =	sdelay $0x3  }
0x180: {  	v25 =	vor.u32 v4, v15;
	v26 =	vld.idx.msk [tilespmem:v11+s22+$0x0], $0xffff  }
0x181: {  	v12 =	vld.idx.msk [tilespmem:v12+s18+$0x0], $0xffff  }
0x182: {  	v27 =	vor.u32 v1, v15;
	v11 =	vld.idx.msk [tilespmem:v11+s23+$0x0], $0xffff  }
0x183: {  	v28 =	vld.idx.msk [tilespmem:v13+s22+$0x0], $0xffff  }
0x184: {  	v29 =	vor.u32 v2, v15;
	v13 =	vld.idx.msk [tilespmem:v13+s23+$0x0], $0xffff  }
0x185: {  	v9 =	vadd.f32 v24, v9;
	v14 =	vmul.f32 v18, v14;
	v24 =	vld.idx.msk [tilespmem:v25+s22+$0x0], $0xffff  }
0x186: {  	v18 =	vor.u32 v3, v15;
	v22 =	vmul.f32 v22, v7;
	v23 =	vadd.s32 $0x8000, v23;
	v25 =	vld.idx.msk [tilespmem:v25+s23+$0x0], $0xffff  }
0x187: {  	v6 =	vadd.f32 v21, v6;
	v17 =	vmul.f32 v19, v17;
	v19 =	vand.u32 $0xFFFF0000, v23;
	v21 =	vld.idx.msk [tilespmem:v27+s22+$0x0], $0xffff  }
0x188: {  	v14 =	vadd.s32 $0x8000, v14;
	v8 =	vadd.f32 v22, v8;
	v19 =	vmul.f32 v19, v7;
	v23 =	vld.idx.msk [tilespmem:v27+s23+$0x0], $0xffff  }
0x189: {  	v14 =	vand.u32 $0xFFFF0000, v14;
	v16 =	vmul.f32 v20, v16;
	v17 =	vadd.s32 $0x8000, v17;
	v20 =	vld.idx.msk [tilespmem:v29+s22+$0x0], $0xffff  }
0x18a: {  	v7 =	vmul.f32 v14, v7;
	v14 =	vand.u32 $0xFFFF0000, v17;
	v17 =	vld.idx.msk [tilespmem:v29+s23+$0x0], $0xffff;
	v11 =	vmul.f32 v11, v26  }
0x18b: {  	v10 =	vadd.f32 v19, v10;
	v19 =	vld.idx.msk [tilespmem:v18+s22+$0x0], $0xffff;
	v13 =	vmul.f32 v13, v28;
	v16 =	vadd.s32 $0x8000, v16  }
0x18c: {  	v18 =	vld.idx.msk [tilespmem:v18+s23+$0x0], $0xffff;
	v14 =	vmul.f32 v14, v12;
	v16 =	vand.u32 $0xFFFF0000, v16;
	v11 =	vadd.s32 $0x8000, v11  }
0x18d: {  	v13 =	vadd.s32 $0x8000, v13;
	v16 =	vmul.f32 v16, v12;
	v11 =	vand.u32 $0xFFFF0000, v11  }
0x18e: {  	v6 =	vadd.f32 v7, v6;
	v7 =	vld.idx.msk [tilespmem:v15+s18+$0x0], $0xffff;
	v13 =	vand.u32 $0xFFFF0000, v13;
	v11 =	vmul.f32 v11, v12  }
0x18f: {  	v12 =	vmul.f32 v13, v12;
	v8 =	vadd.f32 v16, v8;
	v16 =	vmul.f32 v23, v21  }
0x190: {  	v15 =	vmul.f32 v25, v24;
	v17 =	vmul.f32 v17, v20  }
0x191: {  	v10 =	vadd.f32 v11, v10;
	v13 =	vadd.s32 $0x8000, v16;
	v16 =	vmul.f32 v18, v19  }
0x192: {  	v6 =	vadd.f32 v12, v6;
	v17 =	vadd.s32 $0x8000, v17;
	v13 =	vand.u32 $0xFFFF0000, v13  }
0x193: {  	v17 =	vand.u32 $0xFFFF0000, v17;
	v13 =	vmul.f32 v13, v7;
	v16 =	vadd.s32 $0x8000, v16  }
0x194: {  	v15 =	vadd.s32 $0x8000, v15;
	v11 =	vmul.f32 v17, v7;
	v16 =	vand.u32 $0xFFFF0000, v16  }
0x195: {  	v15 =	vand.u32 $0xFFFF0000, v15;
	v8 =	vadd.f32 v13, v8;
	v12 =	vmul.f32 v16, v7  }
0x196: {  	v9 =	vadd.f32 v14, v9;
	v7 =	vmul.f32 v15, v7;
	v10 =	vadd.f32 v11, v10  }
0x197: {  	v6 =	vadd.f32 v12, v6;
	v8 =	vadd.f32 v8, v5  }
0x198: {  	v7 =	vadd.f32 v7, v9;
	v9 =	vadd.f32 v10, v5  }
0x199: {  	[tilespmem:$0x10600] =	vst v8;
	v6 =	vadd.f32 v6, v5  }
0x19a: {  	[tilespmem:$0x10610] =	vst v9;
	v7 =	vadd.f32 v7, v5  }
0x19b: {  	[tilespmem:$0x10620] =	vst v6  }
0x19c: {  	s30 =	simm.s32 $0x0;
	s17 =	simm.s32 $0x10600;
	[tilespmem:$0x10630] =	vst v7  }
0x19d: {  	v6 =	vadd.s32 s30, v0;
	[hbm4b:s12+s30] =	stream.linear.scatter [tilespmem:s17], [sflag:$0x3], $0x40, $0x38;
	[tilespmem:$0x10700] =	vst v63  }
0x19e: {  	v6 =	vand.u32 $0x7F, v6;
	_ =	swait.ge [sflag:s19], $0x2000  }
0x19f: {  	v7 =	vor.u32 v4, v6;
	[sflag:s19] =	ssyncset.done $0x0  }
0x1a0: {  	[sflag:s19] =	ssyncadd.s32 $0xFFFFE000  }
0x1a1: {  	v8 =	vor.u32 v1, v6;
	_ =	swait.ge [sflag:s20], $0x2000  }
0x1a2: {  	[sflag:s20] =	ssyncset.done $0x0  }
0x1a3: {  	v9 =	vor.u32 v2, v6;
	[sflag:s20] =	ssyncadd.s32 $0xFFFFE000  }
0x1a4: {  	s30 =	simm.s32 $0x1;
	v10 =	vld.idx.msk [tilespmem:v7+s24+$0x0], $0xffff  }
0x1a5: {  	v12 =	vadd.s32 s30, v0;
	v7 =	vld.idx.msk [tilespmem:v7+s26+$0x0], $0xffff  }
0x1a6: {  	v11 =	vor.u32 v3, v6;
	v14 =	vand.u32 $0x7F, v12;
	v13 =	vld.idx.msk [tilespmem:v8+s24+$0x0], $0xffff  }
0x1a7: {  	v12 =	vor.u32 v4, v14;
	v8 =	vld.idx.msk [tilespmem:v8+s26+$0x0], $0xffff  }
0x1a8: {  	v15 =	vld.idx.msk [tilespmem:v9+s24+$0x0], $0xffff  }
0x1a9: {  	v17 =	vor.u32 v1, v14;
	v16 =	vld.idx.msk [tilespmem:v6+s18+$0x0], $0xffff  }
0x1aa: {  	v9 =	vld.idx.msk [tilespmem:v9+s26+$0x0], $0xffff  }
0x1ab: {  	v18 =	vld.idx.msk [tilespmem:v11+s24+$0x0], $0xffff  }
0x1ac: {  	v19 =	vor.u32 v2, v14;
	v20 =	vld.idx.msk [tilespmem:v12+s24+$0x0], $0xffff  }
0x1ad: {  	v21 =	vld.idx.msk [tilespmem:v12+s26+$0x0], $0xffff  }
0x1ae: {  	v23 =	vld.idx.msk [tilespmem:v17+s24+$0x0], $0xffff  }
0x1af: {  	v24 =	vld.idx.msk [tilespmem:v17+s26+$0x0], $0xffff;
	v7 =	vmul.f32 v7, v10  }
0x1b0: {  	s30 =	simm.s32 $0x2;
	v22 =	vor.u32 v3, v14;
	v6 =	vimm.f32 $0.0e+00;
	v10 =	vld.idx.msk [tilespmem:v11+s26+$0x0], $0xffff;
	v8 =	vmul.f32 v8, v13  }
0x1b1: {  	v25 =	vld.idx.msk [tilespmem:v19+s24+$0x0], $0xffff;
	v11 =	vadd.s32 s30, v0;
	v13 =	vmul.f32 v9, v15;
	v7 =	vadd.s32 $0x8000, v7  }
0x1b2: {  	v27 =	vld.idx.msk [tilespmem:v19+s26+$0x0], $0xffff;
	v12 =	vand.u32 $0x7F, v11;
	v19 =	vmul.f32 v21, v20;
	v7 =	vand.u32 $0xFFFF0000, v7  }
0x1b3: {  	v8 =	vadd.s32 $0x8000, v8;
	v15 =	vor.u32 v4, v12;
	v7 =	vmul.f32 v7, v16  }
0x1b4: {  	v26 =	vor.u32 v1, v12;
	v11 =	vor.u32 v2, v12;
	v17 =	vadd.s32 $0x8000, v13  }
0x1b5: {  	v8 =	vand.u32 $0xFFFF0000, v8;
	v10 =	vmul.f32 v10, v18;
	v9 =	vadd.f32 v7, v6;
	v7 =	vld.idx.msk [tilespmem:v14+s18+$0x0], $0xffff  }
0x1b6: {  	v13 =	vor.u32 v3, v12;
	v17 =	vand.u32 $0xFFFF0000, v17;
	v8 =	vmul.f32 v8, v16;
	v18 =	vld.idx.msk [tilespmem:v22+s26+$0x0], $0xffff  }
0x1b7: {  	v20 =	vmul.f32 v17, v16;
	v14 =	vld.idx.msk [tilespmem:v22+s24+$0x0], $0xffff;
	v22 =	vmul.f32 v24, v23;
	v10 =	vadd.s32 $0x8000, v10  }
0x1b8: {  	v8 =	vadd.f32 v8, v6;
	v23 =	vadd.s32 $0x8000, v19;
	v17 =	vld.idx.msk [tilespmem:v15+s24+$0x0], $0xffff;
	v10 =	vand.u32 $0xFFFF0000, v10  }
0x1b9: {  	s30 =	simm.s32 $0x3;
	v19 =	vld.idx.msk [tilespmem:v15+s26+$0x0], $0xffff;
	v15 =	vand.u32 $0xFFFF0000, v23;
	v22 =	vadd.s32 $0x8000, v22;
	v21 =	vmul.f32 v10, v16  }
0x1ba: {  	v10 =	vadd.f32 v20, v6;
	v20 =	vadd.s32 s30, v0;
	v16 =	vld.idx.msk [tilespmem:v26+s24+$0x0], $0xffff;
	v24 =	vmul.f32 v15, v7  }
0x1bb: {  	v23 =	vmul.f32 v27, v25;
	s30 =	simm.s32 $0x4;
	v22 =	vand.u32 $0xFFFF0000, v22;
	v15 =	vand.u32 $0x7F, v20;
	v20 =	vld.idx.msk [tilespmem:v26+s26+$0x0], $0xffff  }
.LBB2_12:
0x1bc: {  	p0 =	sne.s32 s30, $0x7F;
	v25 =	vor.u32 v1, v15;
	v26 =	vor.u32 v4, v15;
	v27 =	vld.idx.msk [tilespmem:v11+s24+$0x0], $0xffff;
	v9 =	vadd.f32 v24, v9  }
0x1bd: {  	v24 =	vor.u32 v2, v15;
	v28 =	vor.u32 v3, v15;
	v31 =	vmul.f32 v18, v14;
	v29 =	vld.idx.msk [tilespmem:v12+s18+$0x0], $0xffff  }
0x1be: {  	v22 =	vmul.f32 v22, v7;
	v6 =	vadd.f32 v21, v6;
	v18 =	vadd.s32 $0x8000, v23;
	v30 =	vld.idx.msk [tilespmem:v11+s26+$0x0], $0xffff;
	v11 =	vmovc v24  }
0x1bf: {  	v12 =	vmovc v15;
	v19 =	vmul.f32 v19, v17;
	v17 =	vand.u32 $0xFFFF0000, v18;
	v21 =	vadd.s32 $0x8000, v31;
	v14 =	vld.idx.msk [tilespmem:v13+s24+$0x0], $0xffff  }
.Ltmp5:
0x1c0: {  	v8 =	vadd.f32 v22, v8;
	v15 =	vmul.f32 v17, v7;
	v21 =	vand.u32 $0xFFFF0000, v21;
	v18 =	vld.idx.msk [tilespmem:v13+s26+$0x0], $0xffff;
	v13 =	vmovc v28;
	(pc) =	sbr.rel @p0 .LBB2_12-.Ltmp5, $4  }
0x1c1: {  	v20 =	vmul.f32 v20, v16;
	v16 =	vadd.s32 $0x8000, v19;
	v21 =	vmul.f32 v21, v7;
	v17 =	vld.idx.msk [tilespmem:v26+s24+$0x0], $0xffff  }
0x1c2: {  	v23 =	vand.u32 $0xFFFF0000, v16;
	v10 =	vadd.f32 v15, v10;
	v19 =	vld.idx.msk [tilespmem:v26+s26+$0x0], $0xffff  }
0x1c3: {  	v15 =	vadd.s32 s30, v0;
	v22 =	vadd.s32 $0x8000, v20;
	v24 =	vmul.f32 v23, v29;
	v7 =	vmovc v29;
	v16 =	vld.idx.msk [tilespmem:v25+s24+$0x0], $0xffff  }
0x1c4: {  	s30 =	sadd.s32 $0x1, s30;
	v15 =	vand.u32 $0x7F, v15;
	v22 =	vand.u32 $0xFFFF0000, v22;
	v23 =	vmul.f32 v30, v27;
	v20 =	vld.idx.msk [tilespmem:v25+s26+$0x0], $0xffff  }
0x1c5: {  	_ =	sdelay $0x3  }
0x1c6: {  	v25 =	vor.u32 v4, v15;
	v26 =	vld.idx.msk [tilespmem:v11+s24+$0x0], $0xffff  }
0x1c7: {  	v12 =	vld.idx.msk [tilespmem:v12+s18+$0x0], $0xffff  }
0x1c8: {  	v27 =	vor.u32 v1, v15;
	v11 =	vld.idx.msk [tilespmem:v11+s26+$0x0], $0xffff  }
0x1c9: {  	v28 =	vld.idx.msk [tilespmem:v13+s24+$0x0], $0xffff  }
0x1ca: {  	v29 =	vor.u32 v2, v15;
	v13 =	vld.idx.msk [tilespmem:v13+s26+$0x0], $0xffff  }
0x1cb: {  	v9 =	vadd.f32 v24, v9;
	v14 =	vmul.f32 v18, v14;
	v24 =	vld.idx.msk [tilespmem:v25+s24+$0x0], $0xffff  }
0x1cc: {  	v18 =	vor.u32 v3, v15;
	v22 =	vmul.f32 v22, v7;
	v23 =	vadd.s32 $0x8000, v23;
	v25 =	vld.idx.msk [tilespmem:v25+s26+$0x0], $0xffff  }
0x1cd: {  	v6 =	vadd.f32 v21, v6;
	v17 =	vmul.f32 v19, v17;
	v19 =	vand.u32 $0xFFFF0000, v23;
	v21 =	vld.idx.msk [tilespmem:v27+s24+$0x0], $0xffff  }
0x1ce: {  	v14 =	vadd.s32 $0x8000, v14;
	v8 =	vadd.f32 v22, v8;
	v19 =	vmul.f32 v19, v7;
	v23 =	vld.idx.msk [tilespmem:v27+s26+$0x0], $0xffff  }
0x1cf: {  	v14 =	vand.u32 $0xFFFF0000, v14;
	v16 =	vmul.f32 v20, v16;
	v17 =	vadd.s32 $0x8000, v17;
	v20 =	vld.idx.msk [tilespmem:v29+s24+$0x0], $0xffff  }
0x1d0: {  	v7 =	vmul.f32 v14, v7;
	v14 =	vand.u32 $0xFFFF0000, v17;
	v17 =	vld.idx.msk [tilespmem:v29+s26+$0x0], $0xffff;
	v11 =	vmul.f32 v11, v26  }
0x1d1: {  	v10 =	vadd.f32 v19, v10;
	v19 =	vld.idx.msk [tilespmem:v18+s24+$0x0], $0xffff;
	v13 =	vmul.f32 v13, v28;
	v16 =	vadd.s32 $0x8000, v16  }
0x1d2: {  	v18 =	vld.idx.msk [tilespmem:v18+s26+$0x0], $0xffff;
	v14 =	vmul.f32 v14, v12;
	v16 =	vand.u32 $0xFFFF0000, v16;
	v11 =	vadd.s32 $0x8000, v11  }
0x1d3: {  	v13 =	vadd.s32 $0x8000, v13;
	v16 =	vmul.f32 v16, v12;
	v11 =	vand.u32 $0xFFFF0000, v11  }
0x1d4: {  	v6 =	vadd.f32 v7, v6;
	v7 =	vld.idx.msk [tilespmem:v15+s18+$0x0], $0xffff;
	v13 =	vand.u32 $0xFFFF0000, v13;
	v11 =	vmul.f32 v11, v12  }
0x1d5: {  	v12 =	vmul.f32 v13, v12;
	v8 =	vadd.f32 v16, v8;
	v16 =	vmul.f32 v23, v21  }
0x1d6: {  	v15 =	vmul.f32 v25, v24;
	v17 =	vmul.f32 v17, v20  }
0x1d7: {  	v10 =	vadd.f32 v11, v10;
	v13 =	vadd.s32 $0x8000, v16;
	v16 =	vmul.f32 v18, v19  }
0x1d8: {  	v6 =	vadd.f32 v12, v6;
	v17 =	vadd.s32 $0x8000, v17;
	v13 =	vand.u32 $0xFFFF0000, v13  }
0x1d9: {  	v17 =	vand.u32 $0xFFFF0000, v17;
	v13 =	vmul.f32 v13, v7;
	v16 =	vadd.s32 $0x8000, v16  }
0x1da: {  	v15 =	vadd.s32 $0x8000, v15;
	v11 =	vmul.f32 v17, v7;
	v16 =	vand.u32 $0xFFFF0000, v16  }
0x1db: {  	v15 =	vand.u32 $0xFFFF0000, v15;
	v8 =	vadd.f32 v13, v8;
	v12 =	vmul.f32 v16, v7  }
0x1dc: {  	v9 =	vadd.f32 v14, v9;
	v7 =	vmul.f32 v15, v7;
	v10 =	vadd.f32 v11, v10  }
0x1dd: {  	v6 =	vadd.f32 v12, v6;
	v8 =	vadd.f32 v8, v5  }
0x1de: {  	v7 =	vadd.f32 v7, v9;
	v9 =	vadd.f32 v10, v5  }
0x1df: {  	[tilespmem:$0x10640] =	vst v8;
	v6 =	vadd.f32 v6, v5  }
0x1e0: {  	[tilespmem:$0x10650] =	vst v9;
	v7 =	vadd.f32 v7, v5  }
0x1e1: {  	[tilespmem:$0x10660] =	vst v6  }
0x1e2: {  	s30 =	simm.s32 $0x0;
	s17 =	simm.s32 $0x10640;
	[tilespmem:$0x10670] =	vst v7  }
0x1e3: {  	v6 =	vadd.s32 s30, v0;
	[hbm4b:s13+s30] =	stream.linear.scatter [tilespmem:s17], [sflag:$0x3], $0x40, $0x38;
	[tilespmem:$0x10700] =	vst v63  }
0x1e4: {  	v6 =	vand.u32 $0x7F, v6;
	_ =	swait.ge [sflag:s19], $0x2000  }
0x1e5: {  	v7 =	vor.u32 v4, v6;
	[sflag:s19] =	ssyncset.done $0x0  }
0x1e6: {  	[sflag:s19] =	ssyncadd.s32 $0xFFFFE000  }
0x1e7: {  	v8 =	vor.u32 v1, v6;
	_ =	swait.ge [sflag:s20], $0x2000  }
0x1e8: {  	[sflag:s20] =	ssyncset.done $0x0  }
0x1e9: {  	v9 =	vor.u32 v2, v6;
	[sflag:s20] =	ssyncadd.s32 $0xFFFFE000  }
0x1ea: {  	s30 =	simm.s32 $0x1;
	v10 =	vld.idx.msk [tilespmem:v7+s29+$0x0], $0xffff  }
0x1eb: {  	v12 =	vadd.s32 s30, v0;
	v7 =	vld.idx.msk [tilespmem:v7+s31+$0x0], $0xffff  }
0x1ec: {  	v11 =	vor.u32 v3, v6;
	v14 =	vand.u32 $0x7F, v12;
	v13 =	vld.idx.msk [tilespmem:v8+s29+$0x0], $0xffff  }
0x1ed: {  	v12 =	vor.u32 v4, v14;
	v8 =	vld.idx.msk [tilespmem:v8+s31+$0x0], $0xffff  }
0x1ee: {  	v15 =	vld.idx.msk [tilespmem:v9+s29+$0x0], $0xffff  }
0x1ef: {  	v17 =	vor.u32 v1, v14;
	v16 =	vld.idx.msk [tilespmem:v6+s18+$0x0], $0xffff  }
0x1f0: {  	v9 =	vld.idx.msk [tilespmem:v9+s31+$0x0], $0xffff  }
0x1f1: {  	v18 =	vld.idx.msk [tilespmem:v11+s29+$0x0], $0xffff  }
0x1f2: {  	v19 =	vor.u32 v2, v14;
	v20 =	vld.idx.msk [tilespmem:v12+s29+$0x0], $0xffff  }
0x1f3: {  	v21 =	vld.idx.msk [tilespmem:v12+s31+$0x0], $0xffff  }
0x1f4: {  	v23 =	vld.idx.msk [tilespmem:v17+s29+$0x0], $0xffff  }
0x1f5: {  	v24 =	vld.idx.msk [tilespmem:v17+s31+$0x0], $0xffff;
	v7 =	vmul.f32 v7, v10  }
0x1f6: {  	s30 =	simm.s32 $0x2;
	v22 =	vor.u32 v3, v14;
	v6 =	vimm.f32 $0.0e+00;
	v10 =	vld.idx.msk [tilespmem:v11+s31+$0x0], $0xffff;
	v8 =	vmul.f32 v8, v13  }
0x1f7: {  	v25 =	vld.idx.msk [tilespmem:v19+s29+$0x0], $0xffff;
	v11 =	vadd.s32 s30, v0;
	v13 =	vmul.f32 v9, v15;
	v7 =	vadd.s32 $0x8000, v7  }
0x1f8: {  	v27 =	vld.idx.msk [tilespmem:v19+s31+$0x0], $0xffff;
	v12 =	vand.u32 $0x7F, v11;
	v19 =	vmul.f32 v21, v20;
	v7 =	vand.u32 $0xFFFF0000, v7  }
0x1f9: {  	v8 =	vadd.s32 $0x8000, v8;
	v15 =	vor.u32 v4, v12;
	v7 =	vmul.f32 v7, v16  }
0x1fa: {  	v26 =	vor.u32 v1, v12;
	v11 =	vor.u32 v2, v12;
	v17 =	vadd.s32 $0x8000, v13  }
0x1fb: {  	v8 =	vand.u32 $0xFFFF0000, v8;
	v10 =	vmul.f32 v10, v18;
	v9 =	vadd.f32 v7, v6;
	v7 =	vld.idx.msk [tilespmem:v14+s18+$0x0], $0xffff  }
0x1fc: {  	v13 =	vor.u32 v3, v12;
	v17 =	vand.u32 $0xFFFF0000, v17;
	v8 =	vmul.f32 v8, v16;
	v18 =	vld.idx.msk [tilespmem:v22+s31+$0x0], $0xffff  }
0x1fd: {  	v20 =	vmul.f32 v17, v16;
	v14 =	vld.idx.msk [tilespmem:v22+s29+$0x0], $0xffff;
	v22 =	vmul.f32 v24, v23;
	v10 =	vadd.s32 $0x8000, v10  }
0x1fe: {  	v8 =	vadd.f32 v8, v6;
	v23 =	vadd.s32 $0x8000, v19;
	v17 =	vld.idx.msk [tilespmem:v15+s29+$0x0], $0xffff;
	v10 =	vand.u32 $0xFFFF0000, v10  }
0x1ff: {  	s30 =	simm.s32 $0x3;
	v19 =	vld.idx.msk [tilespmem:v15+s31+$0x0], $0xffff;
	v15 =	vand.u32 $0xFFFF0000, v23;
	v22 =	vadd.s32 $0x8000, v22;
	v21 =	vmul.f32 v10, v16  }
0x200: {  	v10 =	vadd.f32 v20, v6;
	v20 =	vadd.s32 s30, v0;
	v16 =	vld.idx.msk [tilespmem:v26+s29+$0x0], $0xffff;
	v24 =	vmul.f32 v15, v7  }
0x201: {  	v23 =	vmul.f32 v27, v25;
	s30 =	simm.s32 $0x4;
	v22 =	vand.u32 $0xFFFF0000, v22;
	v15 =	vand.u32 $0x7F, v20;
	v20 =	vld.idx.msk [tilespmem:v26+s31+$0x0], $0xffff  }
.LBB2_14:
0x202: {  	p0 =	sne.s32 s30, $0x7F;
	v25 =	vor.u32 v1, v15;
	v26 =	vor.u32 v4, v15;
	v27 =	vld.idx.msk [tilespmem:v11+s29+$0x0], $0xffff;
	v9 =	vadd.f32 v24, v9  }
0x203: {  	v24 =	vor.u32 v2, v15;
	v28 =	vor.u32 v3, v15;
	v31 =	vmul.f32 v18, v14;
	v29 =	vld.idx.msk [tilespmem:v12+s18+$0x0], $0xffff  }
0x204: {  	v22 =	vmul.f32 v22, v7;
	v6 =	vadd.f32 v21, v6;
	v18 =	vadd.s32 $0x8000, v23;
	v30 =	vld.idx.msk [tilespmem:v11+s31+$0x0], $0xffff;
	v11 =	vmovc v24  }
0x205: {  	v12 =	vmovc v15;
	v19 =	vmul.f32 v19, v17;
	v17 =	vand.u32 $0xFFFF0000, v18;
	v21 =	vadd.s32 $0x8000, v31;
	v14 =	vld.idx.msk [tilespmem:v13+s29+$0x0], $0xffff  }
.Ltmp6:
0x206: {  	v8 =	vadd.f32 v22, v8;
	v15 =	vmul.f32 v17, v7;
	v21 =	vand.u32 $0xFFFF0000, v21;
	v18 =	vld.idx.msk [tilespmem:v13+s31+$0x0], $0xffff;
	v13 =	vmovc v28;
	(pc) =	sbr.rel @p0 .LBB2_14-.Ltmp6, $4  }
0x207: {  	v20 =	vmul.f32 v20, v16;
	v16 =	vadd.s32 $0x8000, v19;
	v21 =	vmul.f32 v21, v7;
	v17 =	vld.idx.msk [tilespmem:v26+s29+$0x0], $0xffff  }
0x208: {  	v23 =	vand.u32 $0xFFFF0000, v16;
	v10 =	vadd.f32 v15, v10;
	v19 =	vld.idx.msk [tilespmem:v26+s31+$0x0], $0xffff  }
0x209: {  	v15 =	vadd.s32 s30, v0;
	v22 =	vadd.s32 $0x8000, v20;
	v24 =	vmul.f32 v23, v29;
	v7 =	vmovc v29;
	v16 =	vld.idx.msk [tilespmem:v25+s29+$0x0], $0xffff  }
0x20a: {  	s30 =	sadd.s32 $0x1, s30;
	v15 =	vand.u32 $0x7F, v15;
	v22 =	vand.u32 $0xFFFF0000, v22;
	v23 =	vmul.f32 v30, v27;
	v20 =	vld.idx.msk [tilespmem:v25+s31+$0x0], $0xffff  }
0x20b: {  	_ =	sdelay $0x3  }
0x20c: {  	v25 =	vor.u32 v4, v15;
	v26 =	vld.idx.msk [tilespmem:v11+s29+$0x0], $0xffff  }
0x20d: {  	v12 =	vld.idx.msk [tilespmem:v12+s18+$0x0], $0xffff  }
0x20e: {  	v27 =	vor.u32 v1, v15;
	v11 =	vld.idx.msk [tilespmem:v11+s31+$0x0], $0xffff  }
0x20f: {  	v28 =	vld.idx.msk [tilespmem:v13+s29+$0x0], $0xffff  }
0x210: {  	v29 =	vor.u32 v2, v15;
	v13 =	vld.idx.msk [tilespmem:v13+s31+$0x0], $0xffff  }
0x211: {  	v9 =	vadd.f32 v24, v9;
	v14 =	vmul.f32 v18, v14;
	v24 =	vld.idx.msk [tilespmem:v25+s29+$0x0], $0xffff  }
0x212: {  	v18 =	vor.u32 v3, v15;
	v22 =	vmul.f32 v22, v7;
	v23 =	vadd.s32 $0x8000, v23;
	v25 =	vld.idx.msk [tilespmem:v25+s31+$0x0], $0xffff  }
0x213: {  	v6 =	vadd.f32 v21, v6;
	v17 =	vmul.f32 v19, v17;
	v19 =	vand.u32 $0xFFFF0000, v23;
	v21 =	vld.idx.msk [tilespmem:v27+s29+$0x0], $0xffff  }
0x214: {  	v14 =	vadd.s32 $0x8000, v14;
	v8 =	vadd.f32 v22, v8;
	v19 =	vmul.f32 v19, v7;
	v23 =	vld.idx.msk [tilespmem:v27+s31+$0x0], $0xffff  }
0x215: {  	v14 =	vand.u32 $0xFFFF0000, v14;
	v16 =	vmul.f32 v20, v16;
	v17 =	vadd.s32 $0x8000, v17;
	v20 =	vld.idx.msk [tilespmem:v29+s29+$0x0], $0xffff  }
0x216: {  	v7 =	vmul.f32 v14, v7;
	v14 =	vand.u32 $0xFFFF0000, v17;
	v17 =	vld.idx.msk [tilespmem:v29+s31+$0x0], $0xffff;
	v11 =	vmul.f32 v11, v26  }
0x217: {  	v10 =	vadd.f32 v19, v10;
	v19 =	vld.idx.msk [tilespmem:v18+s29+$0x0], $0xffff;
	v13 =	vmul.f32 v13, v28;
	v16 =	vadd.s32 $0x8000, v16  }
0x218: {  	v18 =	vld.idx.msk [tilespmem:v18+s31+$0x0], $0xffff;
	v14 =	vmul.f32 v14, v12;
	v16 =	vand.u32 $0xFFFF0000, v16;
	v11 =	vadd.s32 $0x8000, v11  }
0x219: {  	v13 =	vadd.s32 $0x8000, v13;
	v16 =	vmul.f32 v16, v12;
	v11 =	vand.u32 $0xFFFF0000, v11  }
0x21a: {  	v6 =	vadd.f32 v7, v6;
	v7 =	vld.idx.msk [tilespmem:v15+s18+$0x0], $0xffff;
	v13 =	vand.u32 $0xFFFF0000, v13;
	v11 =	vmul.f32 v11, v12  }
0x21b: {  	v12 =	vmul.f32 v13, v12;
	v8 =	vadd.f32 v16, v8;
	v16 =	vmul.f32 v23, v21  }
0x21c: {  	v15 =	vmul.f32 v25, v24;
	v17 =	vmul.f32 v17, v20  }
0x21d: {  	v10 =	vadd.f32 v11, v10;
	v13 =	vadd.s32 $0x8000, v16;
	v16 =	vmul.f32 v18, v19  }
0x21e: {  	v6 =	vadd.f32 v12, v6;
	v17 =	vadd.s32 $0x8000, v17;
	v13 =	vand.u32 $0xFFFF0000, v13  }
0x21f: {  	v17 =	vand.u32 $0xFFFF0000, v17;
	v13 =	vmul.f32 v13, v7;
	v16 =	vadd.s32 $0x8000, v16  }
0x220: {  	v15 =	vadd.s32 $0x8000, v15;
	v11 =	vmul.f32 v17, v7;
	v16 =	vand.u32 $0xFFFF0000, v16  }
0x221: {  	v15 =	vand.u32 $0xFFFF0000, v15;
	v8 =	vadd.f32 v13, v8;
	v12 =	vmul.f32 v16, v7  }
0x222: {  	v9 =	vadd.f32 v14, v9;
	v7 =	vmul.f32 v15, v7;
	v10 =	vadd.f32 v11, v10  }
0x223: {  	v6 =	vadd.f32 v12, v6;
	v8 =	vadd.f32 v8, v5  }
0x224: {  	v7 =	vadd.f32 v7, v9;
	v9 =	vadd.f32 v10, v5  }
0x225: {  	[tilespmem:$0x10680] =	vst v8;
	v6 =	vadd.f32 v6, v5  }
0x226: {  	[tilespmem:$0x10690] =	vst v9;
	v7 =	vadd.f32 v7, v5  }
0x227: {  	[tilespmem:$0x106A0] =	vst v6  }
0x228: {  	s30 =	simm.s32 $0x0;
	s17 =	simm.s32 $0x10680;
	[tilespmem:$0x106B0] =	vst v7  }
0x229: {  	v6 =	vadd.s32 s30, v0;
	[hbm4b:s14+s30] =	stream.linear.scatter [tilespmem:s17], [sflag:$0x3], $0x40, $0x38;
	[tilespmem:$0x10700] =	vst v63  }
0x22a: {  	v6 =	vand.u32 $0x7F, v6;
	_ =	swait.ge [sflag:s19], $0x2000  }
0x22b: {  	v7 =	vor.u32 v4, v6;
	[sflag:s19] =	ssyncset.done $0x0  }
0x22c: {  	[sflag:s19] =	ssyncadd.s32 $0xFFFFE000  }
0x22d: {  	v8 =	vor.u32 v1, v6;
	_ =	swait.ge [sflag:s20], $0x2000  }
0x22e: {  	[sflag:s20] =	ssyncset.done $0x0  }
0x22f: {  	v9 =	vor.u32 v2, v6;
	[sflag:s20] =	ssyncadd.s32 $0xFFFFE000  }
0x230: {  	s30 =	simm.s32 $0x1;
	v10 =	vld.idx.msk [tilespmem:v7+s3+$0x0], $0xffff  }
0x231: {  	v12 =	vadd.s32 s30, v0;
	v7 =	vld.idx.msk [tilespmem:v7+s28+$0x0], $0xffff  }
0x232: {  	v11 =	vor.u32 v3, v6;
	v14 =	vand.u32 $0x7F, v12;
	v13 =	vld.idx.msk [tilespmem:v8+s3+$0x0], $0xffff  }
0x233: {  	v12 =	vor.u32 v4, v14;
	v8 =	vld.idx.msk [tilespmem:v8+s28+$0x0], $0xffff  }
0x234: {  	v15 =	vld.idx.msk [tilespmem:v9+s3+$0x0], $0xffff  }
0x235: {  	v17 =	vor.u32 v1, v14;
	v16 =	vld.idx.msk [tilespmem:v6+s18+$0x0], $0xffff  }
0x236: {  	v9 =	vld.idx.msk [tilespmem:v9+s28+$0x0], $0xffff  }
0x237: {  	v18 =	vld.idx.msk [tilespmem:v11+s3+$0x0], $0xffff  }
0x238: {  	v19 =	vor.u32 v2, v14;
	v20 =	vld.idx.msk [tilespmem:v12+s3+$0x0], $0xffff  }
0x239: {  	v21 =	vld.idx.msk [tilespmem:v12+s28+$0x0], $0xffff  }
0x23a: {  	v23 =	vld.idx.msk [tilespmem:v17+s3+$0x0], $0xffff  }
0x23b: {  	v24 =	vld.idx.msk [tilespmem:v17+s28+$0x0], $0xffff;
	v7 =	vmul.f32 v7, v10  }
0x23c: {  	s30 =	simm.s32 $0x2;
	v22 =	vor.u32 v3, v14;
	v6 =	vimm.f32 $0.0e+00;
	v10 =	vld.idx.msk [tilespmem:v11+s28+$0x0], $0xffff;
	v8 =	vmul.f32 v8, v13  }
0x23d: {  	v25 =	vld.idx.msk [tilespmem:v19+s3+$0x0], $0xffff;
	v11 =	vadd.s32 s30, v0;
	v13 =	vmul.f32 v9, v15;
	v7 =	vadd.s32 $0x8000, v7  }
0x23e: {  	v27 =	vld.idx.msk [tilespmem:v19+s28+$0x0], $0xffff;
	v12 =	vand.u32 $0x7F, v11;
	v19 =	vmul.f32 v21, v20;
	v7 =	vand.u32 $0xFFFF0000, v7  }
0x23f: {  	v8 =	vadd.s32 $0x8000, v8;
	v15 =	vor.u32 v4, v12;
	v7 =	vmul.f32 v7, v16  }
0x240: {  	v26 =	vor.u32 v1, v12;
	v11 =	vor.u32 v2, v12;
	v17 =	vadd.s32 $0x8000, v13  }
0x241: {  	v8 =	vand.u32 $0xFFFF0000, v8;
	v10 =	vmul.f32 v10, v18;
	v9 =	vadd.f32 v7, v6;
	v7 =	vld.idx.msk [tilespmem:v14+s18+$0x0], $0xffff  }
0x242: {  	v13 =	vor.u32 v3, v12;
	v17 =	vand.u32 $0xFFFF0000, v17;
	v8 =	vmul.f32 v8, v16;
	v18 =	vld.idx.msk [tilespmem:v22+s28+$0x0], $0xffff  }
0x243: {  	v20 =	vmul.f32 v17, v16;
	v14 =	vld.idx.msk [tilespmem:v22+s3+$0x0], $0xffff;
	v22 =	vmul.f32 v24, v23;
	v10 =	vadd.s32 $0x8000, v10  }
0x244: {  	v8 =	vadd.f32 v8, v6;
	v23 =	vadd.s32 $0x8000, v19;
	v17 =	vld.idx.msk [tilespmem:v15+s3+$0x0], $0xffff;
	v10 =	vand.u32 $0xFFFF0000, v10  }
0x245: {  	s30 =	simm.s32 $0x3;
	v19 =	vld.idx.msk [tilespmem:v15+s28+$0x0], $0xffff;
	v15 =	vand.u32 $0xFFFF0000, v23;
	v22 =	vadd.s32 $0x8000, v22;
	v21 =	vmul.f32 v10, v16  }
0x246: {  	v10 =	vadd.f32 v20, v6;
	v20 =	vadd.s32 s30, v0;
	v16 =	vld.idx.msk [tilespmem:v26+s3+$0x0], $0xffff;
	v24 =	vmul.f32 v15, v7  }
0x247: {  	v23 =	vmul.f32 v27, v25;
	s30 =	simm.s32 $0x4;
	v22 =	vand.u32 $0xFFFF0000, v22;
	v15 =	vand.u32 $0x7F, v20;
	v20 =	vld.idx.msk [tilespmem:v26+s28+$0x0], $0xffff  }
.LBB2_16:
0x248: {  	p0 =	sne.s32 s30, $0x7F;
	v25 =	vor.u32 v1, v15;
	v26 =	vor.u32 v4, v15;
	v27 =	vld.idx.msk [tilespmem:v11+s3+$0x0], $0xffff;
	v9 =	vadd.f32 v24, v9  }
0x249: {  	v24 =	vor.u32 v2, v15;
	v28 =	vor.u32 v3, v15;
	v31 =	vmul.f32 v18, v14;
	v29 =	vld.idx.msk [tilespmem:v12+s18+$0x0], $0xffff  }
0x24a: {  	v22 =	vmul.f32 v22, v7;
	v6 =	vadd.f32 v21, v6;
	v18 =	vadd.s32 $0x8000, v23;
	v30 =	vld.idx.msk [tilespmem:v11+s28+$0x0], $0xffff;
	v11 =	vmovc v24  }
0x24b: {  	v12 =	vmovc v15;
	v19 =	vmul.f32 v19, v17;
	v17 =	vand.u32 $0xFFFF0000, v18;
	v21 =	vadd.s32 $0x8000, v31;
	v14 =	vld.idx.msk [tilespmem:v13+s3+$0x0], $0xffff  }
.Ltmp7:
0x24c: {  	v8 =	vadd.f32 v22, v8;
	v15 =	vmul.f32 v17, v7;
	v21 =	vand.u32 $0xFFFF0000, v21;
	v18 =	vld.idx.msk [tilespmem:v13+s28+$0x0], $0xffff;
	v13 =	vmovc v28;
	(pc) =	sbr.rel @p0 .LBB2_16-.Ltmp7, $4  }
0x24d: {  	v20 =	vmul.f32 v20, v16;
	v16 =	vadd.s32 $0x8000, v19;
	v21 =	vmul.f32 v21, v7;
	v17 =	vld.idx.msk [tilespmem:v26+s3+$0x0], $0xffff  }
0x24e: {  	v23 =	vand.u32 $0xFFFF0000, v16;
	v10 =	vadd.f32 v15, v10;
	v19 =	vld.idx.msk [tilespmem:v26+s28+$0x0], $0xffff  }
0x24f: {  	v15 =	vadd.s32 s30, v0;
	v22 =	vadd.s32 $0x8000, v20;
	v24 =	vmul.f32 v23, v29;
	v7 =	vmovc v29;
	v16 =	vld.idx.msk [tilespmem:v25+s3+$0x0], $0xffff  }
0x250: {  	s30 =	sadd.s32 $0x1, s30;
	v15 =	vand.u32 $0x7F, v15;
	v22 =	vand.u32 $0xFFFF0000, v22;
	v23 =	vmul.f32 v30, v27;
	v20 =	vld.idx.msk [tilespmem:v25+s28+$0x0], $0xffff  }
0x251: {  	_ =	sdelay $0x3  }
0x252: {  	v25 =	vor.u32 v4, v15;
	v26 =	vld.idx.msk [tilespmem:v11+s3+$0x0], $0xffff  }
0x253: {  	v12 =	vld.idx.msk [tilespmem:v12+s18+$0x0], $0xffff  }
0x254: {  	v27 =	vor.u32 v1, v15;
	v46 =	vld.idx.msk [tilespmem:v11+s28+$0x0], $0xffff  }
0x255: {  	v28 =	vld.idx.msk [tilespmem:v13+s3+$0x0], $0xffff  }
0x256: {  	v29 =	vor.u32 v2, v15;
	v47 =	vld.idx.msk [tilespmem:v13+s28+$0x0], $0xffff  }
0x257: {  	v9 =	vadd.f32 v24, v9;
	v48 =	vld.idx.msk [tilespmem:v25+s3+$0x0], $0xffff  }
0x258: {  	v14 =	vmul.f32 v18, v14;
	v49 =	vor.u32 v3, v15;
	v22 =	vmul.f32 v22, v7;
	v25 =	vld.idx.msk [tilespmem:v25+s28+$0x0], $0xffff  }
0x259: {  	v6 =	vadd.f32 v21, v6;
	v23 =	vadd.s32 $0x8000, v23;
	v17 =	vmul.f32 v19, v17;
	v51 =	vld.idx.msk [tilespmem:v27+s3+$0x0], $0xffff  }
0x25a: {  	v50 =	vand.u32 $0xFFFF0000, v23;
	v14 =	vadd.s32 $0x8000, v14;
	v8 =	vadd.f32 v22, v8;
	v52 =	vld.idx.msk [tilespmem:v27+s28+$0x0], $0xffff  }
0x25b: {  	v19 =	vmul.f32 v50, v7;
	v14 =	vand.u32 $0xFFFF0000, v14;
	v16 =	vmul.f32 v20, v16;
	v53 =	vld.idx.msk [tilespmem:v29+s3+$0x0], $0xffff  }
0x25c: {  	v17 =	vadd.s32 $0x8000, v17;
	v7 =	vmul.f32 v14, v7;
	v55 =	vld.idx.msk [tilespmem:v29+s28+$0x0], $0xffff;
	v11 =	vmul.f32 v46, v26  }
0x25d: {  	v54 =	vand.u32 $0xFFFF0000, v17;
	v56 =	vld.idx.msk [tilespmem:v49+s3+$0x0], $0xffff;
	v13 =	vmul.f32 v47, v28;
	v16 =	vadd.s32 $0x8000, v16  }
0x25e: {  	v18 =	vld.idx.msk [tilespmem:v49+s28+$0x0], $0xffff;
	v14 =	vmul.f32 v54, v12;
	v6 =	vadd.f32 v7, v6;
	v11 =	vadd.s32 $0x8000, v11  }
0x25f: {  	v16 =	vand.u32 $0xFFFF0000, v16;
	v13 =	vadd.s32 $0x8000, v13;
	v11 =	vand.u32 $0xFFFF0000, v11  }
0x260: {  	v7 =	vld.idx.msk [tilespmem:v15+s18+$0x0], $0xffff;
	v16 =	vmul.f32 v16, v12;
	v13 =	vand.u32 $0xFFFF0000, v13;
	v11 =	vmul.f32 v11, v12  }
0x261: {  	v10 =	vadd.f32 v19, v10;
	v12 =	vmul.f32 v13, v12;
	v58 =	vmul.f32 v52, v51  }
0x262: {  	v57 =	vmul.f32 v25, v48;
	v8 =	vadd.f32 v16, v8;
	v17 =	vmul.f32 v55, v53  }
0x263: {  	v60 =	vmul.f32 v18, v56;
	v10 =	vadd.f32 v11, v10;
	v59 =	vadd.s32 $0x8000, v58  }
0x264: {  	v6 =	vadd.f32 v12, v6;
	v17 =	vadd.s32 $0x8000, v17;
	v13 =	vand.u32 $0xFFFF0000, v59  }
0x265: {  	v16 =	vadd.s32 $0x8000, v60;
	v17 =	vand.u32 $0xFFFF0000, v17;
	v13 =	vmul.f32 v13, v7  }
0x266: {  	v15 =	vadd.s32 $0x8000, v57;
	v16 =	vand.u32 $0xFFFF0000, v16;
	v61 =	vmul.f32 v17, v7  }
0x267: {  	v15 =	vand.u32 $0xFFFF0000, v15;
	v62 =	vmul.f32 v16, v7;
	v8 =	vadd.f32 v13, v8  }
0x268: {  	v9 =	vadd.f32 v14, v9;
	v7 =	vmul.f32 v15, v7;
	v10 =	vadd.f32 v61, v10  }
0x269: {  	v6 =	vadd.f32 v62, v6;
	v8 =	vadd.f32 v8, v5  }
0x26a: {  	v7 =	vadd.f32 v7, v9;
	v63 =	vadd.f32 v10, v5  }
0x26b: {  	v6 =	vadd.f32 v6, v5;
	[tilespmem:$0x106C0] =	vst v8  }
0x26c: {  	v5 =	vadd.f32 v7, v5;
	[tilespmem:$0x106D0] =	vst v63  }
0x26d: {  	[tilespmem:$0x106E0] =	vst v6  }
0x26e: {  	s17 =	simm.s32 $0x106C0;
	[tilespmem:$0x106F0] =	vst v5  }
0x26f: {  	[hbm4b:s15+s4] =	stream.linear.scatter [tilespmem:s17], [sflag:$0x3], $0x40, $0x38;
	[tilespmem:$0x10700] =	vst v63  }
0x270: {  	_ =	swait.ge [sflag:s0], $0x40  }
0x271: {  	[sflag:s0] =	ssyncset.done $0x0  }
0x272: {  	[sflag:s0] =	ssyncadd.s32 $0xFFFFFFC0  }
0x273: {  	_ =	swait.ge [sflag:s0], $0x40  }
0x274: {  	[sflag:s0] =	ssyncset.done $0x0  }
0x275: {  	[sflag:s0] =	ssyncadd.s32 $0xFFFFFFC0  }
0x276: {  	_ =	swait.ge [sflag:s0], $0x40  }
0x277: {  	[sflag:s0] =	ssyncset.done $0x0  }
0x278: {  	[sflag:s0] =	ssyncadd.s32 $0xFFFFFFC0  }
0x279: {  	_ =	swait.ge [sflag:s0], $0x40  }
0x27a: {  	[sflag:s0] =	ssyncset.done $0x0  }
0x27b: {  	[sflag:s0] =	ssyncadd.s32 $0xFFFFFFC0  }
0x27c: {  	_ =	swait.ge [sflag:s0], $0x40  }
0x27d: {  	[sflag:s0] =	ssyncset.done $0x0  }
0x27e: {  	[sflag:s0] =	ssyncadd.s32 $0xFFFFFFC0  }
0x27f: {  	_ =	swait.ge [sflag:s0], $0x40  }
0x280: {  	[sflag:s0] =	ssyncset.done $0x0  }
0x281: {  	s25 =	sadd.s32 $0x1, s25;
	[sflag:s0] =	ssyncadd.s32 $0xFFFFFFC0  }
0x282: {  	p0 =	sne.s32 s25, s16;
	_ =	swait.ge [sflag:s0], $0x40  }
.Ltmp8:
0x283: {  	[sflag:s0] =	ssyncset.done $0x0;
	(pc) =	sbr.rel @p0 .LBB2_1-.Ltmp8, $4  }
0x284: {  	[sflag:s0] =	ssyncadd.s32 $0xFFFFFFC0  }
0x285: {  	_ =	swait.ge [sflag:s0], $0x40  }
0x286: {  	[sflag:s0] =	ssyncset.done $0x0  }
0x287: {  	[sflag:s0] =	ssyncadd.s32 $0xFFFFFFC0  }
0x288: {  	_ =	sfence.sel $0x180000  }
0x289: {  	[bflag:$0x0] =	sbarrier.arrive $0xFFFF  }
0x28a: {  	_ =	strace $0x90000047  }
0x28b: {  	s0 =	stileid.u32;
	[bflag:$0x2] =	sbarrier.arrive $0xFFFF  }
0x28c: {  	p0 =	sne.s32 s0, $0x0;
	s0 =	rddreg [dreg:$0x6]  }
0x28d: {  	s0 =	sadd.s32 @!p0 $0x100000, s0  }
0x28e: {  	[sflag:s0] =	ssyncadd.tile.s32 @!p0 $0x1;
	_ =	shalt  }
.Lfunc_end2:
_tile_overlayer_lowered:
.L_overlay_start_2:
0x28f: {  	(tag) =	ssettag $0x2  }
0x290: {  	s0 =	rddreg [dreg:$0x0];
	s2 =	stileid.u32  }
0x291: {  	s1 =	rddreg [dreg:$0x1];
	p0 =	sne.s32 s2, $0x0  }
0x292: {  	s3 =	rddreg [dreg:$0x2];
	[bflag:$0x3] =	sbarrier.arrive $0xFFFF;
	s2 =	simm.s32 @!p0 $0x1C04  }
0x293: {  	[timem:s3], [sflag:s2] =	dma.local @!p0 [hbm:s0], s1  }
0x294: {  	s0 =	simm.s32 @!p0 $0x4  }
0x295: {  	_ =	swait.ge @!p0 [sflag:s0], s1  }
0x296: {  	s1 =	ssub.s32 @!p0 $0x0, s1;
	[sflag:s0] =	ssyncset.done @!p0 $0x0  }
0x297: {  	[sflag:s0] =	ssyncadd.s32 @!p0 s1  }
0x298: {  	[bflag:$0x3] =	sbarrier.arrive $0xFFFF  }
0x299: {  	_ =	shalt  }

</sc_bundles>
